<compile_context>
chip_gen: v7x
topology: tpu7x:2x2x1
jax: 0.10.2.dev20260603
libtpu: 0.0.44.dev20260713+nightly
codegen_flags: <defaults>
</compile_context>

<pallas_src>
import functools

import jax
import jax.numpy as jnp
from jax import lax
from jax.experimental import pallas as pl
from jax.experimental.pallas import tpu as pltpu
from jax.experimental.pallas import tpu_sc as plsc

NC = 2
NS = 16
CHUNK = 80
NBUF = 3


def _sc_partials(n_nodes, n_edges, d_feat):
    e_per_w = n_edges // (NC * NS)
    n_chunks = e_per_w // CHUNK
    rpt = (n_nodes // NS) // 8 * 8
    rem = n_nodes - NS * rpt
    n_main = (n_chunks // NBUF) * NBUF
    mesh = plsc.VectorSubcoreMesh(
        core_axis_name="c", subcore_axis_name="s", num_cores=NC, num_subcores=NS
    )

    @functools.partial(
        pl.kernel,
        out_type=jax.ShapeDtypeStruct((NC, n_nodes, d_feat), jnp.float32),
        mesh=mesh,
        scratch_types=[
            pltpu.VMEM((n_chunks, CHUNK), jnp.int32),
            [pltpu.VMEM((CHUNK, d_feat), jnp.float32) for _ in range(NBUF)],
            [pltpu.SemaphoreType.DMA for _ in range(NBUF)],
            [pltpu.SemaphoreType.DMA for _ in range(NBUF)],
            pltpu.SemaphoreType.DMA,
            pltpu.VMEM_SHARED((n_nodes, d_feat), jnp.float32),
        ],
    )
    def scatter_add(
        emb_hbm, dst_hbm, out_hbm, idx_all, rows, gsems, ssems, zsem, acc
    ):
        c = lax.axis_index("c")
        s = lax.axis_index("s")
        wid = s * NC + c
        edge_base = wid * e_per_w

        H = CHUNK // 2

        def issue(j, b):
            base = edge_base + j * CHUNK
            pltpu.async_copy(
                emb_hbm.at[pl.ds(base, H)], rows[b].at[pl.ds(0, H)], gsems[b]
            )
            pltpu.async_copy(
                emb_hbm.at[pl.ds(base + H, H)], rows[b].at[pl.ds(H, H)], gsems[b]
            )

        def wait_gather(b):
            for h in range(2):
                pltpu.make_async_copy(
                    emb_hbm.at[pl.ds(0, H)], rows[b].at[pl.ds(0, H)], gsems[b]
                ).wait()

        def scat(j, b):
            pltpu.async_copy(rows[b], acc.at[idx_all.at[j]], ssems[b], add=True)

        def wait_scat(b):
            pltpu.make_async_copy(rows[b], acc.at[pl.ds(0, CHUNK)], ssems[b]).wait()

        icp = pltpu.async_copy(dst_hbm.at[1, wid], idx_all, zsem)
        r0 = s * rpt
        z16 = jnp.zeros((16,), jnp.float32)

        def zrow(i, _):
            for k in range(d_feat // 16):
                rows[0][i, pl.ds(k * 16, 16)] = z16
            return 0

        for b in range(1, NBUF):
            issue(b, b)
        lax.fori_loop(0, CHUNK, zrow, 0)
        n_zc = rpt // CHUNK
        z_rem = rpt - n_zc * CHUNK
        for k in range(n_zc):
            pltpu.sync_copy(rows[0], acc.at[pl.ds(r0 + k * CHUNK, CHUNK)])
        if z_rem:
            pltpu.sync_copy(
                rows[0].at[pl.ds(0, z_rem)],
                acc.at[pl.ds(r0 + n_zc * CHUNK, z_rem)],
            )
        if rem:
            @pl.when(s == 0)
            def _():
                pltpu.sync_copy(
                    rows[0].at[pl.ds(0, rem)], acc.at[pl.ds(NS * rpt, rem)]
                )
        issue(0, 0)
        icp.wait()
        plsc.subcore_barrier()

        def body(g, _):
            for b in range(NBUF):
                j = g * NBUF + b
                wait_gather(b)
                scat(j, b)
                pb = (b - 1) % NBUF

                def retire_prev():
                    wait_scat(pb)
                    nxt = j - 1 + NBUF

                    @pl.when(nxt < n_chunks)
                    def _():
                        issue(nxt, pb)

                if b == 0:
                    pl.when(g > 0)(retire_prev)
                else:
                    retire_prev()
            return 0

        lax.fori_loop(0, n_main // NBUF, body, 0)
        for j in range(n_main, n_chunks):
            b = j % NBUF
            wait_gather(b)
            scat(j, b)
        for j in range(max(n_main - 1, 0), n_chunks):
            wait_scat(j % NBUF)
        plsc.subcore_barrier()

        pltpu.sync_copy(
            acc.at[pl.ds(r0, rpt)],
            out_hbm.at[c, pl.ds(r0, rpt)],
        )
        if rem:
            @pl.when(s == 0)
            def _():
                pltpu.sync_copy(
                    acc.at[pl.ds(NS * rpt, rem)],
                    out_hbm.at[c, pl.ds(NS * rpt, rem)],
                )

    return scatter_add


def _combine(partials, n_nodes, d_feat):
    rows = 1000
    n_blk = n_nodes // rows

    def add_body(p_hbm, o_ref, buf0, buf1, sem0, sem1):
        i = pl.program_id(0)
        bufs, sems = (buf0, buf1), (sem0, sem1)

        def start(blk, b):
            pltpu.make_async_copy(
                p_hbm.at[:, pl.ds(blk * rows, rows), :], bufs[b], sems[b]
            ).start()

        def wait(b):
            pltpu.make_async_copy(
                p_hbm.at[:, pl.ds(0, rows), :], bufs[b], sems[b]
            ).wait()

        @pl.when(i == 0)
        def _():
            start(0, 0)

        @pl.when(i + 1 < n_blk)
        def _():
            @pl.when((i + 1) % 2 == 0)
            def _():
                start(i + 1, 0)

            @pl.when((i + 1) % 2 == 1)
            def _():
                start(i + 1, 1)

        for b in range(2):
            @pl.when(i % 2 == b)
            def _():
                wait(b)
                o_ref[...] = bufs[b][0] + bufs[b][1]

    return pl.pallas_call(
        add_body,
        grid=(n_blk,),
        in_specs=[pl.BlockSpec(memory_space=pl.ANY)],
        out_specs=pl.BlockSpec((rows, d_feat), lambda i: (i, 0)),
        out_shape=jax.ShapeDtypeStruct((n_nodes, d_feat), jnp.float32),
        scratch_shapes=[
            pltpu.VMEM((NC, rows, d_feat), jnp.float32),
            pltpu.VMEM((NC, rows, d_feat), jnp.float32),
            pltpu.SemaphoreType.DMA,
            pltpu.SemaphoreType.DMA,
        ],
    )(partials)


def kernel(src_emb, edge_index, src_emb_in):
    n_edges, d_feat = src_emb.shape
    n_nodes = src_emb_in.shape[0]
    e_per_w = n_edges // (NC * NS)
    dst4 = edge_index.astype(jnp.int32).reshape(
        2, NC * NS, e_per_w // CHUNK, CHUNK
    )
    partials = _sc_partials(n_nodes, n_edges, d_feat)(src_emb, dst4)
    return _combine(partials, n_nodes, d_feat)

# --- scband reference (transcript-rebuilt; emitter-appended) ---
"""Pipeline reference for scband-a-sum-op-6631429505491 (READ-ONLY COPY).

The authoritative reference and input builder live on the scoring server;
editing this copy changes nothing except your own understanding.
"""

import jax, jax.numpy as jnp
import numpy as np

N_NODES = 10000
N_EDGES = 320000
D_FEAT = 128

def setup_inputs(seed: int = 0) -> dict:
    key = jax.random.key(seed)
    k1, k2, k3 = jax.random.split(key, 3)
    src_emb = jax.random.normal(k1, (N_EDGES, D_FEAT), dtype=jnp.float32)
    edge_index = jax.random.randint(k2, (2, N_EDGES), 0, N_NODES)
    src_emb_in = jax.random.normal(k3, (N_NODES, D_FEAT), dtype=jnp.float32)
    return {"src_emb": src_emb, "edge_index": edge_index, "src_emb_in": src_emb_in}

def reference(src_emb, edge_index, src_emb_in):
    # DGL: block.edata['msg_e'] = src_emb; update_all(copy_edge('msg_e','m'), reduce_sum)
    # i.e. each edge carries its own message (src_emb row), summed into its dst node.
    dst = edge_index[1]
    h_node = jax.ops.segment_sum(src_emb, dst, num_segments=N_NODES)
    return h_node

if __name__ == "__main__":
    import jax
    _d = setup_inputs()
    print(jax.jit(kernel)(*tuple(_d.values())))

</pallas_src>

<mosaic_0001>
#map = affine_map<(d0, d1) -> (0, 0)>
#map1 = affine_map<(d0, d1) -> (0, 0, 0, 0)>
#map2 = affine_map<(d0, d1) -> (0, 0, 0)>
module attributes {stable_mosaic.version = 14 : i64} {
  func.func @scatter_add(%arg0: i32, %arg1: i32, %arg2: memref<320000x128xf32, #tpu.memory_space<hbm>>, %arg3: memref<2x32x125x80xi32, #tpu.memory_space<hbm>>, %arg4: memref<2x10000x128xf32, #tpu.memory_space<hbm>>, %arg5: memref<125x80xi32, #tpu.memory_space<vmem>>, %arg6: memref<80x128xf32, #tpu.memory_space<vmem>>, %arg7: memref<80x128xf32, #tpu.memory_space<vmem>>, %arg8: memref<80x128xf32, #tpu.memory_space<vmem>>, %arg9: memref<!tpu.dma_semaphore, #tpu.memory_space<semaphore_mem>>, %arg10: memref<!tpu.dma_semaphore, #tpu.memory_space<semaphore_mem>>, %arg11: memref<!tpu.dma_semaphore, #tpu.memory_space<semaphore_mem>>, %arg12: memref<!tpu.dma_semaphore, #tpu.memory_space<semaphore_mem>>, %arg13: memref<!tpu.dma_semaphore, #tpu.memory_space<semaphore_mem>>, %arg14: memref<!tpu.dma_semaphore, #tpu.memory_space<semaphore_mem>>, %arg15: memref<!tpu.dma_semaphore, #tpu.memory_space<semaphore_mem>>, %arg16: memref<10000x128xf32, #tpu.memory_space<vmem_shared>>) attributes {dimension_semantics = [#tpu.dimension_semantics<core_parallel>, #tpu.dimension_semantics<subcore_parallel>], iteration_bounds = array<i64: 2, 16>, scalar_prefetch = 0 : i64, scratch_operands = 12 : i64, tpu.core_type = #tpu.core_type<sc_vector_subcore>, window_params = [{transform_indices = #map}, {transform_indices = #map1}, {transform_indices = #map2}]} {
    %mul3A = arith.constant 2 : i32
    %mul3A_0 = arith.muli %arg1, %mul3A : i32
    %add3A = arith.addi %mul3A_0, %arg0 : i32
    %mul3A_1 = arith.constant 10000 : i32
    %mul3A_2 = arith.muli %add3A, %mul3A_1 : i32
    %dma_start3A = arith.constant 1 : i32
    %dma_start3A_3 = arith.constant 0 : i32
    %dma_start3A_4 = arith.constant 0 : i32
    %dma_start3A_5 = tpu.memref_slice %arg3[%dma_start3A, %add3A, %dma_start3A_3, %dma_start3A_4] : memref<2x32x125x80xi32, #tpu.memory_space<hbm>> -> memref<1x1x125x80xi32, #tpu.memory_space<hbm>>
    %dma_start3A_6 = tpu.memref_squeeze %dma_start3A_5 : memref<1x1x125x80xi32, #tpu.memory_space<hbm>> -> memref<125x80xi32, #tpu.memory_space<hbm>>
    %dma_start3A_7 = arith.constant 0 : i32
    %dma_start3A_8 = arith.constant 0 : i32
    %dma_start3A_9 = tpu.memref_slice %arg3[%dma_start3A, %add3A, %dma_start3A_7, %dma_start3A_8] : memref<2x32x125x80xi32, #tpu.memory_space<hbm>> -> memref<1x1x125x80xi32, #tpu.memory_space<hbm>>
    %dma_start3A_10 = tpu.memref_squeeze %dma_start3A_9 : memref<1x1x125x80xi32, #tpu.memory_space<hbm>> -> memref<125x80xi32, #tpu.memory_space<hbm>>
    tpu.enqueue_dma source(%dma_start3A_10 : memref<125x80xi32, #tpu.memory_space<hbm>>) target(%arg5 : memref<125x80xi32, #tpu.memory_space<vmem>>) target_semaphore(%arg15 : memref<!tpu.dma_semaphore, #tpu.memory_space<semaphore_mem>>)
    %mul3A_11 = arith.constant 624 : i32
    %mul3A_12 = arith.muli %arg1, %mul3A_11 : i32
    %broadcast_in_dim3A = arith.constant 0.000000e+00 : f32
    %broadcast_in_dim3A_13 = vector.broadcast %broadcast_in_dim3A : f32 to vector<16xf32>
    %add3A_14 = arith.constant 80 : i32
    %add3A_15 = arith.addi %mul3A_2, %add3A_14 : i32
    %dma_start3A_16 = arith.constant 0 : i32
    %dma_start3A_17 = arith.constant 0 : i32
    %dma_start3A_18 = tpu.memref_slice %arg7[%dma_start3A_16, %dma_start3A_17] : memref<80x128xf32, #tpu.memory_space<vmem>> -> memref<40x128xf32, #tpu.memory_space<vmem>>
    %dma_start3A_19 = arith.constant 0 : i32
    %dma_start3A_20 = tpu.memref_slice %arg2[%add3A_15, %dma_start3A_19] : memref<320000x128xf32, #tpu.memory_space<hbm>> -> memref<40x128xf32, #tpu.memory_space<hbm>>
    %dma_start3A_21 = arith.constant 0 : i32
    %dma_start3A_22 = arith.constant 0 : i32
    %dma_start3A_23 = tpu.memref_slice %arg7[%dma_start3A_21, %dma_start3A_22] : memref<80x128xf32, #tpu.memory_space<vmem>> -> memref<40x128xf32, #tpu.memory_space<vmem>>
    %dma_start3A_24 = arith.constant 0 : i32
    %dma_start3A_25 = tpu.memref_slice %arg2[%add3A_15, %dma_start3A_24] : memref<320000x128xf32, #tpu.memory_space<hbm>> -> memref<40x128xf32, #tpu.memory_space<hbm>>
    tpu.enqueue_dma source(%dma_start3A_25 : memref<40x128xf32, #tpu.memory_space<hbm>>) target(%dma_start3A_23 : memref<40x128xf32, #tpu.memory_space<vmem>>) target_semaphore(%arg10 : memref<!tpu.dma_semaphore, #tpu.memory_space<semaphore_mem>>)
    %add3A_26 = arith.constant 40 : i32
    %add3A_27 = arith.addi %add3A_15, %add3A_26 : i32
    %dma_start3A_28 = arith.constant 40 : i32
    %dma_start3A_29 = arith.constant 0 : i32
    %dma_start3A_30 = tpu.memref_slice %arg7[%dma_start3A_28, %dma_start3A_29] : memref<80x128xf32, #tpu.memory_space<vmem>> -> memref<40x128xf32, #tpu.memory_space<vmem>>
    %dma_start3A_31 = arith.constant 0 : i32
    %dma_start3A_32 = tpu.memref_slice %arg2[%add3A_27, %dma_start3A_31] : memref<320000x128xf32, #tpu.memory_space<hbm>> -> memref<40x128xf32, #tpu.memory_space<hbm>>
    %dma_start3A_33 = arith.constant 40 : i32
    %dma_start3A_34 = arith.constant 0 : i32
    %dma_start3A_35 = tpu.memref_slice %arg7[%dma_start3A_33, %dma_start3A_34] : memref<80x128xf32, #tpu.memory_space<vmem>> -> memref<40x128xf32, #tpu.memory_space<vmem>>
    %dma_start3A_36 = arith.constant 0 : i32
    %dma_start3A_37 = tpu.memref_slice %arg2[%add3A_27, %dma_start3A_36] : memref<320000x128xf32, #tpu.memory_space<hbm>> -> memref<40x128xf32, #tpu.memory_space<hbm>>
    tpu.enqueue_dma source(%dma_start3A_37 : memref<40x128xf32, #tpu.memory_space<hbm>>) target(%dma_start3A_35 : memref<40x128xf32, #tpu.memory_space<vmem>>) target_semaphore(%arg10 : memref<!tpu.dma_semaphore, #tpu.memory_space<semaphore_mem>>)
    %add3A_38 = arith.constant 160 : i32
    %add3A_39 = arith.addi %mul3A_2, %add3A_38 : i32
    %dma_start3A_40 = arith.constant 0 : i32
    %dma_start3A_41 = arith.constant 0 : i32
    %dma_start3A_42 = tpu.memref_slice %arg8[%dma_start3A_40, %dma_start3A_41] : memref<80x128xf32, #tpu.memory_space<vmem>> -> memref<40x128xf32, #tpu.memory_space<vmem>>
    %dma_start3A_43 = arith.constant 0 : i32
    %dma_start3A_44 = tpu.memref_slice %arg2[%add3A_39, %dma_start3A_43] : memref<320000x128xf32, #tpu.memory_space<hbm>> -> memref<40x128xf32, #tpu.memory_space<hbm>>
    %dma_start3A_45 = arith.constant 0 : i32
    %dma_start3A_46 = arith.constant 0 : i32
    %dma_start3A_47 = tpu.memref_slice %arg8[%dma_start3A_45, %dma_start3A_46] : memref<80x128xf32, #tpu.memory_space<vmem>> -> memref<40x128xf32, #tpu.memory_space<vmem>>
    %dma_start3A_48 = arith.constant 0 : i32
    %dma_start3A_49 = tpu.memref_slice %arg2[%add3A_39, %dma_start3A_48] : memref<320000x128xf32, #tpu.memory_space<hbm>> -> memref<40x128xf32, #tpu.memory_space<hbm>>
    tpu.enqueue_dma source(%dma_start3A_49 : memref<40x128xf32, #tpu.memory_space<hbm>>) target(%dma_start3A_47 : memref<40x128xf32, #tpu.memory_space<vmem>>) target_semaphore(%arg11 : memref<!tpu.dma_semaphore, #tpu.memory_space<semaphore_mem>>)
    %add3A_50 = arith.constant 40 : i32
    %add3A_51 = arith.addi %add3A_39, %add3A_50 : i32
    %dma_start3A_52 = arith.constant 40 : i32
    %dma_start3A_53 = arith.constant 0 : i32
    %dma_start3A_54 = tpu.memref_slice %arg8[%dma_start3A_52, %dma_start3A_53] : memref<80x128xf32, #tpu.memory_space<vmem>> -> memref<40x128xf32, #tpu.memory_space<vmem>>
    %dma_start3A_55 = arith.constant 0 : i32
    %dma_start3A_56 = tpu.memref_slice %arg2[%add3A_51, %dma_start3A_55] : memref<320000x128xf32, #tpu.memory_space<hbm>> -> memref<40x128xf32, #tpu.memory_space<hbm>>
    %dma_start3A_57 = arith.constant 40 : i32
    %dma_start3A_58 = arith.constant 0 : i32
    %dma_start3A_59 = tpu.memref_slice %arg8[%dma_start3A_57, %dma_start3A_58] : memref<80x128xf32, #tpu.memory_space<vmem>> -> memref<40x128xf32, #tpu.memory_space<vmem>>
    %dma_start3A_60 = arith.constant 0 : i32
    %dma_start3A_61 = tpu.memref_slice %arg2[%add3A_51, %dma_start3A_60] : memref<320000x128xf32, #tpu.memory_space<hbm>> -> memref<40x128xf32, #tpu.memory_space<hbm>>
    tpu.enqueue_dma source(%dma_start3A_61 : memref<40x128xf32, #tpu.memory_space<hbm>>) target(%dma_start3A_59 : memref<40x128xf32, #tpu.memory_space<vmem>>) target_semaphore(%arg11 : memref<!tpu.dma_semaphore, #tpu.memory_space<semaphore_mem>>)
    %scan3A = arith.constant 0 : i32
    %scan3A_62 = arith.constant 0 : i32
    %scan3A_63 = arith.constant 80 : i32
    %scan3A_64 = arith.addi %scan3A_62, %scan3A_63 : i32
    %scan3A_65 = arith.constant 1 : i32
    %scan3A_66 = scf.for %scan3A_211 = %scan3A_62 to %scan3A_64 step %scan3A_65 iter_args(%scan3A_212 = %scan3A) -> (i32)  : i32 {
      %swap3A = arith.index_cast %scan3A_211 : i32 to index
      %swap3A_213 = arith.constant 0 : index
      %swap3A_214 = tpu.vector_load %arg6[%swap3A, %swap3A_213] {strides = array<i32>} : memref<80x128xf32, #tpu.memory_space<vmem>>, vector<1x16xf32>,
      %swap3A_215 = vector.shape_cast %swap3A_214 : vector<1x16xf32> to vector<16xf32>
      %swap3A_216 = vector.shape_cast %broadcast_in_dim3A_13 : vector<16xf32> to vector<1x16xf32>
      tpu.vector_store %arg6[%swap3A, %swap3A_213], %swap3A_216 {strides = array<i32>} : memref<80x128xf32, #tpu.memory_space<vmem>>, vector<1x16xf32>,
      %swap3A_217 = arith.index_cast %scan3A_211 : i32 to index
      %swap3A_218 = arith.constant 16 : index
      %swap3A_219 = tpu.vector_load %arg6[%swap3A_217, %swap3A_218] {strides = array<i32>} : memref<80x128xf32, #tpu.memory_space<vmem>>, vector<1x16xf32>,
      %swap3A_220 = vector.shape_cast %swap3A_219 : vector<1x16xf32> to vector<16xf32>
      %swap3A_221 = vector.shape_cast %broadcast_in_dim3A_13 : vector<16xf32> to vector<1x16xf32>
      tpu.vector_store %arg6[%swap3A_217, %swap3A_218], %swap3A_221 {strides = array<i32>} : memref<80x128xf32, #tpu.memory_space<vmem>>, vector<1x16xf32>,
      %swap3A_222 = arith.index_cast %scan3A_211 : i32 to index
      %swap3A_223 = arith.constant 32 : index
      %swap3A_224 = tpu.vector_load %arg6[%swap3A_222, %swap3A_223] {strides = array<i32>} : memref<80x128xf32, #tpu.memory_space<vmem>>, vector<1x16xf32>,
      %swap3A_225 = vector.shape_cast %swap3A_224 : vector<1x16xf32> to vector<16xf32>
      %swap3A_226 = vector.shape_cast %broadcast_in_dim3A_13 : vector<16xf32> to vector<1x16xf32>
      tpu.vector_store %arg6[%swap3A_222, %swap3A_223], %swap3A_226 {strides = array<i32>} : memref<80x128xf32, #tpu.memory_space<vmem>>, vector<1x16xf32>,
      %swap3A_227 = arith.index_cast %scan3A_211 : i32 to index
      %swap3A_228 = arith.constant 48 : index
      %swap3A_229 = tpu.vector_load %arg6[%swap3A_227, %swap3A_228] {strides = array<i32>} : memref<80x128xf32, #tpu.memory_space<vmem>>, vector<1x16xf32>,
      %swap3A_230 = vector.shape_cast %swap3A_229 : vector<1x16xf32> to vector<16xf32>
      %swap3A_231 = vector.shape_cast %broadcast_in_dim3A_13 : vector<16xf32> to vector<1x16xf32>
      tpu.vector_store %arg6[%swap3A_227, %swap3A_228], %swap3A_231 {strides = array<i32>} : memref<80x128xf32, #tpu.memory_space<vmem>>, vector<1x16xf32>,
      %swap3A_232 = arith.index_cast %scan3A_211 : i32 to index
      %swap3A_233 = arith.constant 64 : index
      %swap3A_234 = tpu.vector_load %arg6[%swap3A_232, %swap3A_233] {strides = array<i32>} : memref<80x128xf32, #tpu.memory_space<vmem>>, vector<1x16xf32>,
      %swap3A_235 = vector.shape_cast %swap3A_234 : vector<1x16xf32> to vector<16xf32>
      %swap3A_236 = vector.shape_cast %broadcast_in_dim3A_13 : vector<16xf32> to vector<1x16xf32>
      tpu.vector_store %arg6[%swap3A_232, %swap3A_233], %swap3A_236 {strides = array<i32>} : memref<80x128xf32, #tpu.memory_space<vmem>>, vector<1x16xf32>,
      %swap3A_237 = arith.index_cast %scan3A_211 : i32 to index
      %swap3A_238 = arith.constant 80 : index
      %swap3A_239 = tpu.vector_load %arg6[%swap3A_237, %swap3A_238] {strides = array<i32>} : memref<80x128xf32, #tpu.memory_space<vmem>>, vector<1x16xf32>,
      %swap3A_240 = vector.shape_cast %swap3A_239 : vector<1x16xf32> to vector<16xf32>
      %swap3A_241 = vector.shape_cast %broadcast_in_dim3A_13 : vector<16xf32> to vector<1x16xf32>
      tpu.vector_store %arg6[%swap3A_237, %swap3A_238], %swap3A_241 {strides = array<i32>} : memref<80x128xf32, #tpu.memory_space<vmem>>, vector<1x16xf32>,
      %swap3A_242 = arith.index_cast %scan3A_211 : i32 to index
      %swap3A_243 = arith.constant 96 : index
      %swap3A_244 = tpu.vector_load %arg6[%swap3A_242, %swap3A_243] {strides = array<i32>} : memref<80x128xf32, #tpu.memory_space<vmem>>, vector<1x16xf32>,
      %swap3A_245 = vector.shape_cast %swap3A_244 : vector<1x16xf32> to vector<16xf32>
      %swap3A_246 = vector.shape_cast %broadcast_in_dim3A_13 : vector<16xf32> to vector<1x16xf32>
      tpu.vector_store %arg6[%swap3A_242, %swap3A_243], %swap3A_246 {strides = array<i32>} : memref<80x128xf32, #tpu.memory_space<vmem>>, vector<1x16xf32>,
      %swap3A_247 = arith.index_cast %scan3A_211 : i32 to index
      %swap3A_248 = arith.constant 112 : index
      %swap3A_249 = tpu.vector_load %arg6[%swap3A_247, %swap3A_248] {strides = array<i32>} : memref<80x128xf32, #tpu.memory_space<vmem>>, vector<1x16xf32>,
      %swap3A_250 = vector.shape_cast %swap3A_249 : vector<1x16xf32> to vector<16xf32>
      %swap3A_251 = vector.shape_cast %broadcast_in_dim3A_13 : vector<16xf32> to vector<1x16xf32>
      tpu.vector_store %arg6[%swap3A_247, %swap3A_248], %swap3A_251 {strides = array<i32>} : memref<80x128xf32, #tpu.memory_space<vmem>>, vector<1x16xf32>,
      %scan3A_252 = arith.constant 0 : i32
      scf.yield %scan3A_252 : i32
    }
    %scan3A_67 = arith.constant 80 : i32
    %add3A_68 = arith.constant 0 : i32
    %add3A_69 = arith.addi %mul3A_12, %add3A_68 : i32
    "tpu.region"() ({
      %run_scoped3A = tpu.sem_alloc : memref<!tpu.dma_semaphore, #tpu.memory_space<semaphore_mem>>
      %dma_start3A_211 = arith.constant 0 : i32
      %dma_start3A_212 = tpu.memref_slice %arg16[%add3A_69, %dma_start3A_211] : memref<10000x128xf32, #tpu.memory_space<vmem_shared>> -> memref<80x128xf32, #tpu.memory_space<vmem_shared>>
      %dma_start3A_213 = arith.constant 0 : i32
      %dma_start3A_214 = tpu.memref_slice %arg16[%add3A_69, %dma_start3A_213] : memref<10000x128xf32, #tpu.memory_space<vmem_shared>> -> memref<80x128xf32, #tpu.memory_space<vmem_shared>>
      tpu.enqueue_dma source(%arg6 : memref<80x128xf32, #tpu.memory_space<vmem>>) target(%dma_start3A_214 : memref<80x128xf32, #tpu.memory_space<vmem_shared>>) target_semaphore(%run_scoped3A : memref<!tpu.dma_semaphore, #tpu.memory_space<semaphore_mem>>)
      %dma_wait3A_215 = arith.constant 0 : i32
      %dma_wait3A_216 = tpu.memref_slice %arg16[%add3A_69, %dma_wait3A_215] : memref<10000x128xf32, #tpu.memory_space<vmem_shared>> -> memref<80x128xf32, #tpu.memory_space<vmem_shared>>
      %dma_wait3A_217 = arith.constant 0 : i32
      %dma_wait3A_218 = tpu.memref_slice %arg16[%add3A_69, %dma_wait3A_217] : memref<10000x128xf32, #tpu.memory_space<vmem_shared>> -> memref<80x128xf32, #tpu.memory_space<vmem_shared>>
      tpu.wait_dma2 semaphore(%run_scoped3A : memref<!tpu.dma_semaphore, #tpu.memory_space<semaphore_mem>>) src(%arg6 : memref<80x128xf32, #tpu.memory_space<vmem>>) dst(%dma_wait3A_218 : memref<80x128xf32, #tpu.memory_space<vmem_shared>>)
      tpu.yield
    }) : () -> ()
    %add3A_70 = arith.constant 80 : i32
    %add3A_71 = arith.addi %mul3A_12, %add3A_70 : i32
    "tpu.region"() ({
      %run_scoped3A = tpu.sem_alloc : memref<!tpu.dma_semaphore, #tpu.memory_space<semaphore_mem>>
      %dma_start3A_211 = arith.constant 0 : i32
      %dma_start3A_212 = tpu.memref_slice %arg16[%add3A_71, %dma_start3A_211] : memref<10000x128xf32, #tpu.memory_space<vmem_shared>> -> memref<80x128xf32, #tpu.memory_space<vmem_shared>>
      %dma_start3A_213 = arith.constant 0 : i32
      %dma_start3A_214 = tpu.memref_slice %arg16[%add3A_71, %dma_start3A_213] : memref<10000x128xf32, #tpu.memory_space<vmem_shared>> -> memref<80x128xf32, #tpu.memory_space<vmem_shared>>
      tpu.enqueue_dma source(%arg6 : memref<80x128xf32, #tpu.memory_space<vmem>>) target(%dma_start3A_214 : memref<80x128xf32, #tpu.memory_space<vmem_shared>>) target_semaphore(%run_scoped3A : memref<!tpu.dma_semaphore, #tpu.memory_space<semaphore_mem>>)
      %dma_wait3A_215 = arith.constant 0 : i32
      %dma_wait3A_216 = tpu.memref_slice %arg16[%add3A_71, %dma_wait3A_215] : memref<10000x128xf32, #tpu.memory_space<vmem_shared>> -> memref<80x128xf32, #tpu.memory_space<vmem_shared>>
      %dma_wait3A_217 = arith.constant 0 : i32
      %dma_wait3A_218 = tpu.memref_slice %arg16[%add3A_71, %dma_wait3A_217] : memref<10000x128xf32, #tpu.memory_space<vmem_shared>> -> memref<80x128xf32, #tpu.memory_space<vmem_shared>>
      tpu.wait_dma2 semaphore(%run_scoped3A : memref<!tpu.dma_semaphore, #tpu.memory_space<semaphore_mem>>) src(%arg6 : memref<80x128xf32, #tpu.memory_space<vmem>>) dst(%dma_wait3A_218 : memref<80x128xf32, #tpu.memory_space<vmem_shared>>)
      tpu.yield
    }) : () -> ()
    %add3A_72 = arith.constant 160 : i32
    %add3A_73 = arith.addi %mul3A_12, %add3A_72 : i32
    "tpu.region"() ({
      %run_scoped3A = tpu.sem_alloc : memref<!tpu.dma_semaphore, #tpu.memory_space<semaphore_mem>>
      %dma_start3A_211 = arith.constant 0 : i32
      %dma_start3A_212 = tpu.memref_slice %arg16[%add3A_73, %dma_start3A_211] : memref<10000x128xf32, #tpu.memory_space<vmem_shared>> -> memref<80x128xf32, #tpu.memory_space<vmem_shared>>
      %dma_start3A_213 = arith.constant 0 : i32
      %dma_start3A_214 = tpu.memref_slice %arg16[%add3A_73, %dma_start3A_213] : memref<10000x128xf32, #tpu.memory_space<vmem_shared>> -> memref<80x128xf32, #tpu.memory_space<vmem_shared>>
      tpu.enqueue_dma source(%arg6 : memref<80x128xf32, #tpu.memory_space<vmem>>) target(%dma_start3A_214 : memref<80x128xf32, #tpu.memory_space<vmem_shared>>) target_semaphore(%run_scoped3A : memref<!tpu.dma_semaphore, #tpu.memory_space<semaphore_mem>>)
      %dma_wait3A_215 = arith.constant 0 : i32
      %dma_wait3A_216 = tpu.memref_slice %arg16[%add3A_73, %dma_wait3A_215] : memref<10000x128xf32, #tpu.memory_space<vmem_shared>> -> memref<80x128xf32, #tpu.memory_space<vmem_shared>>
      %dma_wait3A_217 = arith.constant 0 : i32
      %dma_wait3A_218 = tpu.memref_slice %arg16[%add3A_73, %dma_wait3A_217] : memref<10000x128xf32, #tpu.memory_space<vmem_shared>> -> memref<80x128xf32, #tpu.memory_space<vmem_shared>>
      tpu.wait_dma2 semaphore(%run_scoped3A : memref<!tpu.dma_semaphore, #tpu.memory_space<semaphore_mem>>) src(%arg6 : memref<80x128xf32, #tpu.memory_space<vmem>>) dst(%dma_wait3A_218 : memref<80x128xf32, #tpu.memory_space<vmem_shared>>)
      tpu.yield
    }) : () -> ()
    %add3A_74 = arith.constant 240 : i32
    %add3A_75 = arith.addi %mul3A_12, %add3A_74 : i32
    "tpu.region"() ({
      %run_scoped3A = tpu.sem_alloc : memref<!tpu.dma_semaphore, #tpu.memory_space<semaphore_mem>>
      %dma_start3A_211 = arith.constant 0 : i32
      %dma_start3A_212 = tpu.memref_slice %arg16[%add3A_75, %dma_start3A_211] : memref<10000x128xf32, #tpu.memory_space<vmem_shared>> -> memref<80x128xf32, #tpu.memory_space<vmem_shared>>
      %dma_start3A_213 = arith.constant 0 : i32
      %dma_start3A_214 = tpu.memref_slice %arg16[%add3A_75, %dma_start3A_213] : memref<10000x128xf32, #tpu.memory_space<vmem_shared>> -> memref<80x128xf32, #tpu.memory_space<vmem_shared>>
      tpu.enqueue_dma source(%arg6 : memref<80x128xf32, #tpu.memory_space<vmem>>) target(%dma_start3A_214 : memref<80x128xf32, #tpu.memory_space<vmem_shared>>) target_semaphore(%run_scoped3A : memref<!tpu.dma_semaphore, #tpu.memory_space<semaphore_mem>>)
      %dma_wait3A_215 = arith.constant 0 : i32
      %dma_wait3A_216 = tpu.memref_slice %arg16[%add3A_75, %dma_wait3A_215] : memref<10000x128xf32, #tpu.memory_space<vmem_shared>> -> memref<80x128xf32, #tpu.memory_space<vmem_shared>>
      %dma_wait3A_217 = arith.constant 0 : i32
      %dma_wait3A_218 = tpu.memref_slice %arg16[%add3A_75, %dma_wait3A_217] : memref<10000x128xf32, #tpu.memory_space<vmem_shared>> -> memref<80x128xf32, #tpu.memory_space<vmem_shared>>
      tpu.wait_dma2 semaphore(%run_scoped3A : memref<!tpu.dma_semaphore, #tpu.memory_space<semaphore_mem>>) src(%arg6 : memref<80x128xf32, #tpu.memory_space<vmem>>) dst(%dma_wait3A_218 : memref<80x128xf32, #tpu.memory_space<vmem_shared>>)
      tpu.yield
    }) : () -> ()
    %add3A_76 = arith.constant 320 : i32
    %add3A_77 = arith.addi %mul3A_12, %add3A_76 : i32
    "tpu.region"() ({
      %run_scoped3A = tpu.sem_alloc : memref<!tpu.dma_semaphore, #tpu.memory_space<semaphore_mem>>
      %dma_start3A_211 = arith.constant 0 : i32
      %dma_start3A_212 = tpu.memref_slice %arg16[%add3A_77, %dma_start3A_211] : memref<10000x128xf32, #tpu.memory_space<vmem_shared>> -> memref<80x128xf32, #tpu.memory_space<vmem_shared>>
      %dma_start3A_213 = arith.constant 0 : i32
      %dma_start3A_214 = tpu.memref_slice %arg16[%add3A_77, %dma_start3A_213] : memref<10000x128xf32, #tpu.memory_space<vmem_shared>> -> memref<80x128xf32, #tpu.memory_space<vmem_shared>>
      tpu.enqueue_dma source(%arg6 : memref<80x128xf32, #tpu.memory_space<vmem>>) target(%dma_start3A_214 : memref<80x128xf32, #tpu.memory_space<vmem_shared>>) target_semaphore(%run_scoped3A : memref<!tpu.dma_semaphore, #tpu.memory_space<semaphore_mem>>)
      %dma_wait3A_215 = arith.constant 0 : i32
      %dma_wait3A_216 = tpu.memref_slice %arg16[%add3A_77, %dma_wait3A_215] : memref<10000x128xf32, #tpu.memory_space<vmem_shared>> -> memref<80x128xf32, #tpu.memory_space<vmem_shared>>
      %dma_wait3A_217 = arith.constant 0 : i32
      %dma_wait3A_218 = tpu.memref_slice %arg16[%add3A_77, %dma_wait3A_217] : memref<10000x128xf32, #tpu.memory_space<vmem_shared>> -> memref<80x128xf32, #tpu.memory_space<vmem_shared>>
      tpu.wait_dma2 semaphore(%run_scoped3A : memref<!tpu.dma_semaphore, #tpu.memory_space<semaphore_mem>>) src(%arg6 : memref<80x128xf32, #tpu.memory_space<vmem>>) dst(%dma_wait3A_218 : memref<80x128xf32, #tpu.memory_space<vmem_shared>>)
      tpu.yield
    }) : () -> ()
    %add3A_78 = arith.constant 400 : i32
    %add3A_79 = arith.addi %mul3A_12, %add3A_78 : i32
    "tpu.region"() ({
      %run_scoped3A = tpu.sem_alloc : memref<!tpu.dma_semaphore, #tpu.memory_space<semaphore_mem>>
      %dma_start3A_211 = arith.constant 0 : i32
      %dma_start3A_212 = tpu.memref_slice %arg16[%add3A_79, %dma_start3A_211] : memref<10000x128xf32, #tpu.memory_space<vmem_shared>> -> memref<80x128xf32, #tpu.memory_space<vmem_shared>>
      %dma_start3A_213 = arith.constant 0 : i32
      %dma_start3A_214 = tpu.memref_slice %arg16[%add3A_79, %dma_start3A_213] : memref<10000x128xf32, #tpu.memory_space<vmem_shared>> -> memref<80x128xf32, #tpu.memory_space<vmem_shared>>
      tpu.enqueue_dma source(%arg6 : memref<80x128xf32, #tpu.memory_space<vmem>>) target(%dma_start3A_214 : memref<80x128xf32, #tpu.memory_space<vmem_shared>>) target_semaphore(%run_scoped3A : memref<!tpu.dma_semaphore, #tpu.memory_space<semaphore_mem>>)
      %dma_wait3A_215 = arith.constant 0 : i32
      %dma_wait3A_216 = tpu.memref_slice %arg16[%add3A_79, %dma_wait3A_215] : memref<10000x128xf32, #tpu.memory_space<vmem_shared>> -> memref<80x128xf32, #tpu.memory_space<vmem_shared>>
      %dma_wait3A_217 = arith.constant 0 : i32
      %dma_wait3A_218 = tpu.memref_slice %arg16[%add3A_79, %dma_wait3A_217] : memref<10000x128xf32, #tpu.memory_space<vmem_shared>> -> memref<80x128xf32, #tpu.memory_space<vmem_shared>>
      tpu.wait_dma2 semaphore(%run_scoped3A : memref<!tpu.dma_semaphore, #tpu.memory_space<semaphore_mem>>) src(%arg6 : memref<80x128xf32, #tpu.memory_space<vmem>>) dst(%dma_wait3A_218 : memref<80x128xf32, #tpu.memory_space<vmem_shared>>)
      tpu.yield
    }) : () -> ()
    %add3A_80 = arith.constant 480 : i32
    %add3A_81 = arith.addi %mul3A_12, %add3A_80 : i32
    "tpu.region"() ({
      %run_scoped3A = tpu.sem_alloc : memref<!tpu.dma_semaphore, #tpu.memory_space<semaphore_mem>>
      %dma_start3A_211 = arith.constant 0 : i32
      %dma_start3A_212 = tpu.memref_slice %arg16[%add3A_81, %dma_start3A_211] : memref<10000x128xf32, #tpu.memory_space<vmem_shared>> -> memref<80x128xf32, #tpu.memory_space<vmem_shared>>
      %dma_start3A_213 = arith.constant 0 : i32
      %dma_start3A_214 = tpu.memref_slice %arg16[%add3A_81, %dma_start3A_213] : memref<10000x128xf32, #tpu.memory_space<vmem_shared>> -> memref<80x128xf32, #tpu.memory_space<vmem_shared>>
      tpu.enqueue_dma source(%arg6 : memref<80x128xf32, #tpu.memory_space<vmem>>) target(%dma_start3A_214 : memref<80x128xf32, #tpu.memory_space<vmem_shared>>) target_semaphore(%run_scoped3A : memref<!tpu.dma_semaphore, #tpu.memory_space<semaphore_mem>>)
      %dma_wait3A_215 = arith.constant 0 : i32
      %dma_wait3A_216 = tpu.memref_slice %arg16[%add3A_81, %dma_wait3A_215] : memref<10000x128xf32, #tpu.memory_space<vmem_shared>> -> memref<80x128xf32, #tpu.memory_space<vmem_shared>>
      %dma_wait3A_217 = arith.constant 0 : i32
      %dma_wait3A_218 = tpu.memref_slice %arg16[%add3A_81, %dma_wait3A_217] : memref<10000x128xf32, #tpu.memory_space<vmem_shared>> -> memref<80x128xf32, #tpu.memory_space<vmem_shared>>
      tpu.wait_dma2 semaphore(%run_scoped3A : memref<!tpu.dma_semaphore, #tpu.memory_space<semaphore_mem>>) src(%arg6 : memref<80x128xf32, #tpu.memory_space<vmem>>) dst(%dma_wait3A_218 : memref<80x128xf32, #tpu.memory_space<vmem_shared>>)
      tpu.yield
    }) : () -> ()
    %add3A_82 = arith.constant 560 : i32
    %add3A_83 = arith.addi %mul3A_12, %add3A_82 : i32
    "tpu.region"() ({
      %run_scoped3A = tpu.sem_alloc : memref<!tpu.dma_semaphore, #tpu.memory_space<semaphore_mem>>
      %dma_start3A_211 = arith.constant 0 : i32
      %dma_start3A_212 = arith.constant 0 : i32
      %dma_start3A_213 = tpu.memref_slice %arg6[%dma_start3A_211, %dma_start3A_212] : memref<80x128xf32, #tpu.memory_space<vmem>> -> memref<64x128xf32, #tpu.memory_space<vmem>>
      %dma_start3A_214 = arith.constant 0 : i32
      %dma_start3A_215 = tpu.memref_slice %arg16[%add3A_83, %dma_start3A_214] : memref<10000x128xf32, #tpu.memory_space<vmem_shared>> -> memref<64x128xf32, #tpu.memory_space<vmem_shared>>
      %dma_start3A_216 = arith.constant 0 : i32
      %dma_start3A_217 = tpu.memref_slice %arg16[%add3A_83, %dma_start3A_216] : memref<10000x128xf32, #tpu.memory_space<vmem_shared>> -> memref<64x128xf32, #tpu.memory_space<vmem_shared>>
      %dma_start3A_218 = arith.constant 0 : i32
      %dma_start3A_219 = arith.constant 0 : i32
      %dma_start3A_220 = tpu.memref_slice %arg6[%dma_start3A_218, %dma_start3A_219] : memref<80x128xf32, #tpu.memory_space<vmem>> -> memref<64x128xf32, #tpu.memory_space<vmem>>
      tpu.enqueue_dma source(%dma_start3A_220 : memref<64x128xf32, #tpu.memory_space<vmem>>) target(%dma_start3A_217 : memref<64x128xf32, #tpu.memory_space<vmem_shared>>) target_semaphore(%run_scoped3A : memref<!tpu.dma_semaphore, #tpu.memory_space<semaphore_mem>>)
      %dma_wait3A_221 = arith.constant 0 : i32
      %dma_wait3A_222 = arith.constant 0 : i32
      %dma_wait3A_223 = tpu.memref_slice %arg6[%dma_wait3A_221, %dma_wait3A_222] : memref<80x128xf32, #tpu.memory_space<vmem>> -> memref<64x128xf32, #tpu.memory_space<vmem>>
      %dma_wait3A_224 = arith.constant 0 : i32
      %dma_wait3A_225 = tpu.memref_slice %arg16[%add3A_83, %dma_wait3A_224] : memref<10000x128xf32, #tpu.memory_space<vmem_shared>> -> memref<64x128xf32, #tpu.memory_space<vmem_shared>>
      %dma_wait3A_226 = arith.constant 0 : i32
      %dma_wait3A_227 = tpu.memref_slice %arg16[%add3A_83, %dma_wait3A_226] : memref<10000x128xf32, #tpu.memory_space<vmem_shared>> -> memref<64x128xf32, #tpu.memory_space<vmem_shared>>
      %dma_wait3A_228 = arith.constant 0 : i32
      %dma_wait3A_229 = arith.constant 0 : i32
      %dma_wait3A_230 = tpu.memref_slice %arg6[%dma_wait3A_228, %dma_wait3A_229] : memref<80x128xf32, #tpu.memory_space<vmem>> -> memref<64x128xf32, #tpu.memory_space<vmem>>
      tpu.wait_dma2 semaphore(%run_scoped3A : memref<!tpu.dma_semaphore, #tpu.memory_space<semaphore_mem>>) src(%dma_wait3A_230 : memref<64x128xf32, #tpu.memory_space<vmem>>) dst(%dma_wait3A_227 : memref<64x128xf32, #tpu.memory_space<vmem_shared>>)
      tpu.yield
    }) : () -> ()
    %eq3A = arith.constant 0 : i32
    %eq3A_84 = arith.cmpi eq, %arg1, %eq3A : i32
    %convert_element_type3A = arith.extui %eq3A_84 : i1 to i32
    %cond3A = arith.constant 0 : i32
    %cond3A_85 = arith.cmpi ne, %convert_element_type3A, %cond3A : i32
    scf.if %cond3A_85 {
      "tpu.region"() ({
        %run_scoped3A = tpu.sem_alloc : memref<!tpu.dma_semaphore, #tpu.memory_space<semaphore_mem>>
        %dma_start3A_211 = arith.constant 0 : i32
        %dma_start3A_212 = arith.constant 0 : i32
        %dma_start3A_213 = tpu.memref_slice %arg6[%dma_start3A_211, %dma_start3A_212] : memref<80x128xf32, #tpu.memory_space<vmem>> -> memref<16x128xf32, #tpu.memory_space<vmem>>
        %dma_start3A_214 = arith.constant 9984 : i32
        %dma_start3A_215 = arith.constant 0 : i32
        %dma_start3A_216 = tpu.memref_slice %arg16[%dma_start3A_214, %dma_start3A_215] : memref<10000x128xf32, #tpu.memory_space<vmem_shared>> -> memref<16x128xf32, #tpu.memory_space<vmem_shared>>
        %dma_start3A_217 = arith.constant 9984 : i32
        %dma_start3A_218 = arith.constant 0 : i32
        %dma_start3A_219 = tpu.memref_slice %arg16[%dma_start3A_217, %dma_start3A_218] : memref<10000x128xf32, #tpu.memory_space<vmem_shared>> -> memref<16x128xf32, #tpu.memory_space<vmem_shared>>
        %dma_start3A_220 = arith.constant 0 : i32
        %dma_start3A_221 = arith.constant 0 : i32
        %dma_start3A_222 = tpu.memref_slice %arg6[%dma_start3A_220, %dma_start3A_221] : memref<80x128xf32, #tpu.memory_space<vmem>> -> memref<16x128xf32, #tpu.memory_space<vmem>>
        tpu.enqueue_dma source(%dma_start3A_222 : memref<16x128xf32, #tpu.memory_space<vmem>>) target(%dma_start3A_219 : memref<16x128xf32, #tpu.memory_space<vmem_shared>>) target_semaphore(%run_scoped3A : memref<!tpu.dma_semaphore, #tpu.memory_space<semaphore_mem>>)
        %dma_wait3A_223 = arith.constant 0 : i32
        %dma_wait3A_224 = arith.constant 0 : i32
        %dma_wait3A_225 = tpu.memref_slice %arg6[%dma_wait3A_223, %dma_wait3A_224] : memref<80x128xf32, #tpu.memory_space<vmem>> -> memref<16x128xf32, #tpu.memory_space<vmem>>
        %dma_wait3A_226 = arith.constant 9984 : i32
        %dma_wait3A_227 = arith.constant 0 : i32
        %dma_wait3A_228 = tpu.memref_slice %arg16[%dma_wait3A_226, %dma_wait3A_227] : memref<10000x128xf32, #tpu.memory_space<vmem_shared>> -> memref<16x128xf32, #tpu.memory_space<vmem_shared>>
        %dma_wait3A_229 = arith.constant 9984 : i32
        %dma_wait3A_230 = arith.constant 0 : i32
        %dma_wait3A_231 = tpu.memref_slice %arg16[%dma_wait3A_229, %dma_wait3A_230] : memref<10000x128xf32, #tpu.memory_space<vmem_shared>> -> memref<16x128xf32, #tpu.memory_space<vmem_shared>>
        %dma_wait3A_232 = arith.constant 0 : i32
        %dma_wait3A_233 = arith.constant 0 : i32
        %dma_wait3A_234 = tpu.memref_slice %arg6[%dma_wait3A_232, %dma_wait3A_233] : memref<80x128xf32, #tpu.memory_space<vmem>> -> memref<16x128xf32, #tpu.memory_space<vmem>>
        tpu.wait_dma2 semaphore(%run_scoped3A : memref<!tpu.dma_semaphore, #tpu.memory_space<semaphore_mem>>) src(%dma_wait3A_234 : memref<16x128xf32, #tpu.memory_space<vmem>>) dst(%dma_wait3A_231 : memref<16x128xf32, #tpu.memory_space<vmem_shared>>)
        tpu.yield
      }) : () -> ()
    } else {
    }
    %add3A_86 = arith.constant 0 : i32
    %add3A_87 = arith.addi %mul3A_2, %add3A_86 : i32
    %dma_start3A_88 = arith.constant 0 : i32
    %dma_start3A_89 = arith.constant 0 : i32
    %dma_start3A_90 = tpu.memref_slice %arg6[%dma_start3A_88, %dma_start3A_89] : memref<80x128xf32, #tpu.memory_space<vmem>> -> memref<40x128xf32, #tpu.memory_space<vmem>>
    %dma_start3A_91 = arith.constant 0 : i32
    %dma_start3A_92 = tpu.memref_slice %arg2[%add3A_87, %dma_start3A_91] : memref<320000x128xf32, #tpu.memory_space<hbm>> -> memref<40x128xf32, #tpu.memory_space<hbm>>
    %dma_start3A_93 = arith.constant 0 : i32
    %dma_start3A_94 = arith.constant 0 : i32
    %dma_start3A_95 = tpu.memref_slice %arg6[%dma_start3A_93, %dma_start3A_94] : memref<80x128xf32, #tpu.memory_space<vmem>> -> memref<40x128xf32, #tpu.memory_space<vmem>>
    %dma_start3A_96 = arith.constant 0 : i32
    %dma_start3A_97 = tpu.memref_slice %arg2[%add3A_87, %dma_start3A_96] : memref<320000x128xf32, #tpu.memory_space<hbm>> -> memref<40x128xf32, #tpu.memory_space<hbm>>
    tpu.enqueue_dma source(%dma_start3A_97 : memref<40x128xf32, #tpu.memory_space<hbm>>) target(%dma_start3A_95 : memref<40x128xf32, #tpu.memory_space<vmem>>) target_semaphore(%arg9 : memref<!tpu.dma_semaphore, #tpu.memory_space<semaphore_mem>>)
    %add3A_98 = arith.constant 40 : i32
    %add3A_99 = arith.addi %add3A_87, %add3A_98 : i32
    %dma_start3A_100 = arith.constant 40 : i32
    %dma_start3A_101 = arith.constant 0 : i32
    %dma_start3A_102 = tpu.memref_slice %arg6[%dma_start3A_100, %dma_start3A_101] : memref<80x128xf32, #tpu.memory_space<vmem>> -> memref<40x128xf32, #tpu.memory_space<vmem>>
    %dma_start3A_103 = arith.constant 0 : i32
    %dma_start3A_104 = tpu.memref_slice %arg2[%add3A_99, %dma_start3A_103] : memref<320000x128xf32, #tpu.memory_space<hbm>> -> memref<40x128xf32, #tpu.memory_space<hbm>>
    %dma_start3A_105 = arith.constant 40 : i32
    %dma_start3A_106 = arith.constant 0 : i32
    %dma_start3A_107 = tpu.memref_slice %arg6[%dma_start3A_105, %dma_start3A_106] : memref<80x128xf32, #tpu.memory_space<vmem>> -> memref<40x128xf32, #tpu.memory_space<vmem>>
    %dma_start3A_108 = arith.constant 0 : i32
    %dma_start3A_109 = tpu.memref_slice %arg2[%add3A_99, %dma_start3A_108] : memref<320000x128xf32, #tpu.memory_space<hbm>> -> memref<40x128xf32, #tpu.memory_space<hbm>>
    tpu.enqueue_dma source(%dma_start3A_109 : memref<40x128xf32, #tpu.memory_space<hbm>>) target(%dma_start3A_107 : memref<40x128xf32, #tpu.memory_space<vmem>>) target_semaphore(%arg9 : memref<!tpu.dma_semaphore, #tpu.memory_space<semaphore_mem>>)
    %dma_wait3A = arith.constant 1 : i32
    %dma_wait3A_110 = arith.constant 0 : i32
    %dma_wait3A_111 = arith.constant 0 : i32
    %dma_wait3A_112 = tpu.memref_slice %arg3[%dma_wait3A, %add3A, %dma_wait3A_110, %dma_wait3A_111] : memref<2x32x125x80xi32, #tpu.memory_space<hbm>> -> memref<1x1x125x80xi32, #tpu.memory_space<hbm>>
    %dma_wait3A_113 = tpu.memref_squeeze %dma_wait3A_112 : memref<1x1x125x80xi32, #tpu.memory_space<hbm>> -> memref<125x80xi32, #tpu.memory_space<hbm>>
    %dma_wait3A_114 = arith.constant 0 : i32
    %dma_wait3A_115 = arith.constant 0 : i32
    %dma_wait3A_116 = tpu.memref_slice %arg3[%dma_wait3A, %add3A, %dma_wait3A_114, %dma_wait3A_115] : memref<2x32x125x80xi32, #tpu.memory_space<hbm>> -> memref<1x1x125x80xi32, #tpu.memory_space<hbm>>
    %dma_wait3A_117 = tpu.memref_squeeze %dma_wait3A_116 : memref<1x1x125x80xi32, #tpu.memory_space<hbm>> -> memref<125x80xi32, #tpu.memory_space<hbm>>
    tpu.wait_dma2 semaphore(%arg15 : memref<!tpu.dma_semaphore, #tpu.memory_space<semaphore_mem>>) src(%dma_wait3A_117 : memref<125x80xi32, #tpu.memory_space<hbm>>) dst(%arg5 : memref<125x80xi32, #tpu.memory_space<vmem>>)
    %barrier3A = arith.constant 0 : index
    tpu.barrier barrier_id(%barrier3A)
    %scan3A_118 = arith.constant 0 : i32
    %scan3A_119 = arith.constant 0 : i32
    %scan3A_120 = arith.constant 41 : i32
    %scan3A_121 = arith.addi %scan3A_119, %scan3A_120 : i32
    %scan3A_122 = arith.constant 1 : i32
    %scan3A_123 = scf.for %scan3A_211 = %scan3A_119 to %scan3A_121 step %scan3A_122 iter_args(%scan3A_212 = %scan3A_118) -> (i32)  : i32 {
      %mul3A_213 = arith.constant 3 : i32
      %mul3A_214 = arith.muli %scan3A_211, %mul3A_213 : i32
      %add3A_215 = arith.constant 0 : i32
      %add3A_216 = arith.addi %mul3A_214, %add3A_215 : i32
      %dma_wait3A_217 = arith.constant 0 : i32
      %dma_wait3A_218 = arith.constant 0 : i32
      %dma_wait3A_219 = tpu.memref_slice %arg6[%dma_wait3A_217, %dma_wait3A_218] : memref<80x128xf32, #tpu.memory_space<vmem>> -> memref<40x128xf32, #tpu.memory_space<vmem>>
      %dma_wait3A_220 = arith.constant 0 : i32
      %dma_wait3A_221 = arith.constant 0 : i32
      %dma_wait3A_222 = tpu.memref_slice %arg2[%dma_wait3A_220, %dma_wait3A_221] : memref<320000x128xf32, #tpu.memory_space<hbm>> -> memref<40x128xf32, #tpu.memory_space<hbm>>
      %dma_wait3A_223 = arith.constant 0 : i32
      %dma_wait3A_224 = arith.constant 0 : i32
      %dma_wait3A_225 = tpu.memref_slice %arg6[%dma_wait3A_223, %dma_wait3A_224] : memref<80x128xf32, #tpu.memory_space<vmem>> -> memref<40x128xf32, #tpu.memory_space<vmem>>
      %dma_wait3A_226 = arith.constant 0 : i32
      %dma_wait3A_227 = arith.constant 0 : i32
      %dma_wait3A_228 = tpu.memref_slice %arg2[%dma_wait3A_226, %dma_wait3A_227] : memref<320000x128xf32, #tpu.memory_space<hbm>> -> memref<40x128xf32, #tpu.memory_space<hbm>>
      tpu.wait_dma2 semaphore(%arg9 : memref<!tpu.dma_semaphore, #tpu.memory_space<semaphore_mem>>) src(%dma_wait3A_228 : memref<40x128xf32, #tpu.memory_space<hbm>>) dst(%dma_wait3A_225 : memref<40x128xf32, #tpu.memory_space<vmem>>)
      %dma_wait3A_229 = arith.constant 0 : i32
      %dma_wait3A_230 = arith.constant 0 : i32
      %dma_wait3A_231 = tpu.memref_slice %arg6[%dma_wait3A_229, %dma_wait3A_230] : memref<80x128xf32, #tpu.memory_space<vmem>> -> memref<40x128xf32, #tpu.memory_space<vmem>>
      %dma_wait3A_232 = arith.constant 0 : i32
      %dma_wait3A_233 = arith.constant 0 : i32
      %dma_wait3A_234 = tpu.memref_slice %arg2[%dma_wait3A_232, %dma_wait3A_233] : memref<320000x128xf32, #tpu.memory_space<hbm>> -> memref<40x128xf32, #tpu.memory_space<hbm>>
      %dma_wait3A_235 = arith.constant 0 : i32
      %dma_wait3A_236 = arith.constant 0 : i32
      %dma_wait3A_237 = tpu.memref_slice %arg6[%dma_wait3A_235, %dma_wait3A_236] : memref<80x128xf32, #tpu.memory_space<vmem>> -> memref<40x128xf32, #tpu.memory_space<vmem>>
      %dma_wait3A_238 = arith.constant 0 : i32
      %dma_wait3A_239 = arith.constant 0 : i32
      %dma_wait3A_240 = tpu.memref_slice %arg2[%dma_wait3A_238, %dma_wait3A_239] : memref<320000x128xf32, #tpu.memory_space<hbm>> -> memref<40x128xf32, #tpu.memory_space<hbm>>
      tpu.wait_dma2 semaphore(%arg9 : memref<!tpu.dma_semaphore, #tpu.memory_space<semaphore_mem>>) src(%dma_wait3A_240 : memref<40x128xf32, #tpu.memory_space<hbm>>) dst(%dma_wait3A_237 : memref<40x128xf32, #tpu.memory_space<vmem>>)
      %dma_start3A_241 = arith.constant 0 : i32
      %dma_start3A_242 = tpu.memref_slice %arg5[%add3A_216, %dma_start3A_241] : memref<125x80xi32, #tpu.memory_space<vmem>> -> memref<1x80xi32, #tpu.memory_space<vmem>>
      %dma_start3A_243 = tpu.memref_squeeze %dma_start3A_242 : memref<1x80xi32, #tpu.memory_space<vmem>> -> memref<80xi32, #tpu.memory_space<vmem>>
      %dma_start3A_244 = arith.constant 0 : i32
      %dma_start3A_245 = arith.constant 0 : i32
      %dma_start3A_246 = tpu.memref_slice %arg16[%dma_start3A_244, %dma_start3A_245] : memref<10000x128xf32, #tpu.memory_space<vmem_shared>> -> memref<10000x128xf32, #tpu.memory_space<vmem_shared>>
      tpu.enqueue_indirect_dma source(%arg6 : memref<80x128xf32, #tpu.memory_space<vmem>>) target(%dma_start3A_246 : memref<10000x128xf32, #tpu.memory_space<vmem_shared>>) offsets(%dma_start3A_243 : memref<80xi32, #tpu.memory_space<vmem>>) semaphore(%arg12 : memref<!tpu.dma_semaphore, #tpu.memory_space<semaphore_mem>>) {add = true}
      %gt3A = arith.constant 0 : i32
      %gt3A_247 = arith.cmpi sgt, %scan3A_211, %gt3A : i32
      %convert_element_type3A_248 = arith.extui %gt3A_247 : i1 to i32
      %cond3A_249 = arith.constant 0 : i32
      %cond3A_250 = arith.cmpi ne, %convert_element_type3A_248, %cond3A_249 : i32
      scf.if %cond3A_250 {
        %dma_wait3A_348 = arith.constant 0 : i32
        %dma_wait3A_349 = arith.constant 0 : i32
        %dma_wait3A_350 = tpu.memref_slice %arg16[%dma_wait3A_348, %dma_wait3A_349] : memref<10000x128xf32, #tpu.memory_space<vmem_shared>> -> memref<80x128xf32, #tpu.memory_space<vmem_shared>>
        %dma_wait3A_351 = arith.constant 0 : i32
        %dma_wait3A_352 = arith.constant 0 : i32
        %dma_wait3A_353 = tpu.memref_slice %arg16[%dma_wait3A_351, %dma_wait3A_352] : memref<10000x128xf32, #tpu.memory_space<vmem_shared>> -> memref<80x128xf32, #tpu.memory_space<vmem_shared>>
        tpu.wait_dma2 semaphore(%arg14 : memref<!tpu.dma_semaphore, #tpu.memory_space<semaphore_mem>>) src(%arg8 : memref<80x128xf32, #tpu.memory_space<vmem>>) dst(%dma_wait3A_353 : memref<80x128xf32, #tpu.memory_space<vmem_shared>>)
        %sub3A_354 = arith.constant 1 : i32
        %sub3A_355 = arith.subi %add3A_216, %sub3A_354 : i32
        %add3A_356 = arith.constant 3 : i32
        %add3A_357 = arith.addi %sub3A_355, %add3A_356 : i32
        %lt3A_358 = arith.constant 125 : i32
        %lt3A_359 = arith.cmpi slt, %add3A_357, %lt3A_358 : i32
        %convert_element_type3A_360 = arith.extui %lt3A_359 : i1 to i32
        %cond3A_361 = arith.constant 0 : i32
        %cond3A_362 = arith.cmpi ne, %convert_element_type3A_360, %cond3A_361 : i32
        scf.if %cond3A_362 {
          %mul3A_363 = arith.constant 80 : i32
          %mul3A_364 = arith.muli %add3A_357, %mul3A_363 : i32
          %add3A_365 = arith.addi %mul3A_2, %mul3A_364 : i32
          %dma_start3A_366 = arith.constant 0 : i32
          %dma_start3A_367 = arith.constant 0 : i32
          %dma_start3A_368 = tpu.memref_slice %arg8[%dma_start3A_366, %dma_start3A_367] : memref<80x128xf32, #tpu.memory_space<vmem>> -> memref<40x128xf32, #tpu.memory_space<vmem>>
          %dma_start3A_369 = arith.constant 0 : i32
          %dma_start3A_370 = tpu.memref_slice %arg2[%add3A_365, %dma_start3A_369] : memref<320000x128xf32, #tpu.memory_space<hbm>> -> memref<40x128xf32, #tpu.memory_space<hbm>>
          %dma_start3A_371 = arith.constant 0 : i32
          %dma_start3A_372 = arith.constant 0 : i32
          %dma_start3A_373 = tpu.memref_slice %arg8[%dma_start3A_371, %dma_start3A_372] : memref<80x128xf32, #tpu.memory_space<vmem>> -> memref<40x128xf32, #tpu.memory_space<vmem>>
          %dma_start3A_374 = arith.constant 0 : i32
          %dma_start3A_375 = tpu.memref_slice %arg2[%add3A_365, %dma_start3A_374] : memref<320000x128xf32, #tpu.memory_space<hbm>> -> memref<40x128xf32, #tpu.memory_space<hbm>>
          tpu.enqueue_dma source(%dma_start3A_375 : memref<40x128xf32, #tpu.memory_space<hbm>>) target(%dma_start3A_373 : memref<40x128xf32, #tpu.memory_space<vmem>>) target_semaphore(%arg11 : memref<!tpu.dma_semaphore, #tpu.memory_space<semaphore_mem>>)
          %add3A_376 = arith.constant 40 : i32
          %add3A_377 = arith.addi %add3A_365, %add3A_376 : i32
          %dma_start3A_378 = arith.constant 40 : i32
          %dma_start3A_379 = arith.constant 0 : i32
          %dma_start3A_380 = tpu.memref_slice %arg8[%dma_start3A_378, %dma_start3A_379] : memref<80x128xf32, #tpu.memory_space<vmem>> -> memref<40x128xf32, #tpu.memory_space<vmem>>
          %dma_start3A_381 = arith.constant 0 : i32
          %dma_start3A_382 = tpu.memref_slice %arg2[%add3A_377, %dma_start3A_381] : memref<320000x128xf32, #tpu.memory_space<hbm>> -> memref<40x128xf32, #tpu.memory_space<hbm>>
          %dma_start3A_383 = arith.constant 40 : i32
          %dma_start3A_384 = arith.constant 0 : i32
          %dma_start3A_385 = tpu.memref_slice %arg8[%dma_start3A_383, %dma_start3A_384] : memref<80x128xf32, #tpu.memory_space<vmem>> -> memref<40x128xf32, #tpu.memory_space<vmem>>
          %dma_start3A_386 = arith.constant 0 : i32
          %dma_start3A_387 = tpu.memref_slice %arg2[%add3A_377, %dma_start3A_386] : memref<320000x128xf32, #tpu.memory_space<hbm>> -> memref<40x128xf32, #tpu.memory_space<hbm>>
          tpu.enqueue_dma source(%dma_start3A_387 : memref<40x128xf32, #tpu.memory_space<hbm>>) target(%dma_start3A_385 : memref<40x128xf32, #tpu.memory_space<vmem>>) target_semaphore(%arg11 : memref<!tpu.dma_semaphore, #tpu.memory_space<semaphore_mem>>)
        } else {
        }
      } else {
      }
      %mul3A_251 = arith.constant 3 : i32
      %mul3A_252 = arith.muli %scan3A_211, %mul3A_251 : i32
      %add3A_253 = arith.constant 1 : i32
      %add3A_254 = arith.addi %mul3A_252, %add3A_253 : i32
      %dma_wait3A_255 = arith.constant 0 : i32
      %dma_wait3A_256 = arith.constant 0 : i32
      %dma_wait3A_257 = tpu.memref_slice %arg7[%dma_wait3A_255, %dma_wait3A_256] : memref<80x128xf32, #tpu.memory_space<vmem>> -> memref<40x128xf32, #tpu.memory_space<vmem>>
      %dma_wait3A_258 = arith.constant 0 : i32
      %dma_wait3A_259 = arith.constant 0 : i32
      %dma_wait3A_260 = tpu.memref_slice %arg2[%dma_wait3A_258, %dma_wait3A_259] : memref<320000x128xf32, #tpu.memory_space<hbm>> -> memref<40x128xf32, #tpu.memory_space<hbm>>
      %dma_wait3A_261 = arith.constant 0 : i32
      %dma_wait3A_262 = arith.constant 0 : i32
      %dma_wait3A_263 = tpu.memref_slice %arg7[%dma_wait3A_261, %dma_wait3A_262] : memref<80x128xf32, #tpu.memory_space<vmem>> -> memref<40x128xf32, #tpu.memory_space<vmem>>
      %dma_wait3A_264 = arith.constant 0 : i32
      %dma_wait3A_265 = arith.constant 0 : i32
      %dma_wait3A_266 = tpu.memref_slice %arg2[%dma_wait3A_264, %dma_wait3A_265] : memref<320000x128xf32, #tpu.memory_space<hbm>> -> memref<40x128xf32, #tpu.memory_space<hbm>>
      tpu.wait_dma2 semaphore(%arg10 : memref<!tpu.dma_semaphore, #tpu.memory_space<semaphore_mem>>) src(%dma_wait3A_266 : memref<40x128xf32, #tpu.memory_space<hbm>>) dst(%dma_wait3A_263 : memref<40x128xf32, #tpu.memory_space<vmem>>)
      %dma_wait3A_267 = arith.constant 0 : i32
      %dma_wait3A_268 = arith.constant 0 : i32
      %dma_wait3A_269 = tpu.memref_slice %arg7[%dma_wait3A_267, %dma_wait3A_268] : memref<80x128xf32, #tpu.memory_space<vmem>> -> memref<40x128xf32, #tpu.memory_space<vmem>>
      %dma_wait3A_270 = arith.constant 0 : i32
      %dma_wait3A_271 = arith.constant 0 : i32
      %dma_wait3A_272 = tpu.memref_slice %arg2[%dma_wait3A_270, %dma_wait3A_271] : memref<320000x128xf32, #tpu.memory_space<hbm>> -> memref<40x128xf32, #tpu.memory_space<hbm>>
      %dma_wait3A_273 = arith.constant 0 : i32
      %dma_wait3A_274 = arith.constant 0 : i32
      %dma_wait3A_275 = tpu.memref_slice %arg7[%dma_wait3A_273, %dma_wait3A_274] : memref<80x128xf32, #tpu.memory_space<vmem>> -> memref<40x128xf32, #tpu.memory_space<vmem>>
      %dma_wait3A_276 = arith.constant 0 : i32
      %dma_wait3A_277 = arith.constant 0 : i32
      %dma_wait3A_278 = tpu.memref_slice %arg2[%dma_wait3A_276, %dma_wait3A_277] : memref<320000x128xf32, #tpu.memory_space<hbm>> -> memref<40x128xf32, #tpu.memory_space<hbm>>
      tpu.wait_dma2 semaphore(%arg10 : memref<!tpu.dma_semaphore, #tpu.memory_space<semaphore_mem>>) src(%dma_wait3A_278 : memref<40x128xf32, #tpu.memory_space<hbm>>) dst(%dma_wait3A_275 : memref<40x128xf32, #tpu.memory_space<vmem>>)
      %dma_start3A_279 = arith.constant 0 : i32
      %dma_start3A_280 = tpu.memref_slice %arg5[%add3A_254, %dma_start3A_279] : memref<125x80xi32, #tpu.memory_space<vmem>> -> memref<1x80xi32, #tpu.memory_space<vmem>>
      %dma_start3A_281 = tpu.memref_squeeze %dma_start3A_280 : memref<1x80xi32, #tpu.memory_space<vmem>> -> memref<80xi32, #tpu.memory_space<vmem>>
      %dma_start3A_282 = arith.constant 0 : i32
      %dma_start3A_283 = arith.constant 0 : i32
      %dma_start3A_284 = tpu.memref_slice %arg16[%dma_start3A_282, %dma_start3A_283] : memref<10000x128xf32, #tpu.memory_space<vmem_shared>> -> memref<10000x128xf32, #tpu.memory_space<vmem_shared>>
      tpu.enqueue_indirect_dma source(%arg7 : memref<80x128xf32, #tpu.memory_space<vmem>>) target(%dma_start3A_284 : memref<10000x128xf32, #tpu.memory_space<vmem_shared>>) offsets(%dma_start3A_281 : memref<80xi32, #tpu.memory_space<vmem>>) semaphore(%arg13 : memref<!tpu.dma_semaphore, #tpu.memory_space<semaphore_mem>>) {add = true}
      %dma_wait3A_285 = arith.constant 0 : i32
      %dma_wait3A_286 = arith.constant 0 : i32
      %dma_wait3A_287 = tpu.memref_slice %arg16[%dma_wait3A_285, %dma_wait3A_286] : memref<10000x128xf32, #tpu.memory_space<vmem_shared>> -> memref<80x128xf32, #tpu.memory_space<vmem_shared>>
      %dma_wait3A_288 = arith.constant 0 : i32
      %dma_wait3A_289 = arith.constant 0 : i32
      %dma_wait3A_290 = tpu.memref_slice %arg16[%dma_wait3A_288, %dma_wait3A_289] : memref<10000x128xf32, #tpu.memory_space<vmem_shared>> -> memref<80x128xf32, #tpu.memory_space<vmem_shared>>
      tpu.wait_dma2 semaphore(%arg12 : memref<!tpu.dma_semaphore, #tpu.memory_space<semaphore_mem>>) src(%arg6 : memref<80x128xf32, #tpu.memory_space<vmem>>) dst(%dma_wait3A_290 : memref<80x128xf32, #tpu.memory_space<vmem_shared>>)
      %sub3A = arith.constant 1 : i32
      %sub3A_291 = arith.subi %add3A_254, %sub3A : i32
      %add3A_292 = arith.constant 3 : i32
      %add3A_293 = arith.addi %sub3A_291, %add3A_292 : i32
      %lt3A = arith.constant 125 : i32
      %lt3A_294 = arith.cmpi slt, %add3A_293, %lt3A : i32
      %convert_element_type3A_295 = arith.extui %lt3A_294 : i1 to i32
      %cond3A_296 = arith.constant 0 : i32
      %cond3A_297 = arith.cmpi ne, %convert_element_type3A_295, %cond3A_296 : i32
      scf.if %cond3A_297 {
        %mul3A_348 = arith.constant 80 : i32
        %mul3A_349 = arith.muli %add3A_293, %mul3A_348 : i32
        %add3A_350 = arith.addi %mul3A_2, %mul3A_349 : i32
        %dma_start3A_351 = arith.constant 0 : i32
        %dma_start3A_352 = arith.constant 0 : i32
        %dma_start3A_353 = tpu.memref_slice %arg6[%dma_start3A_351, %dma_start3A_352] : memref<80x128xf32, #tpu.memory_space<vmem>> -> memref<40x128xf32, #tpu.memory_space<vmem>>
        %dma_start3A_354 = arith.constant 0 : i32
        %dma_start3A_355 = tpu.memref_slice %arg2[%add3A_350, %dma_start3A_354] : memref<320000x128xf32, #tpu.memory_space<hbm>> -> memref<40x128xf32, #tpu.memory_space<hbm>>
        %dma_start3A_356 = arith.constant 0 : i32
        %dma_start3A_357 = arith.constant 0 : i32
        %dma_start3A_358 = tpu.memref_slice %arg6[%dma_start3A_356, %dma_start3A_357] : memref<80x128xf32, #tpu.memory_space<vmem>> -> memref<40x128xf32, #tpu.memory_space<vmem>>
        %dma_start3A_359 = arith.constant 0 : i32
        %dma_start3A_360 = tpu.memref_slice %arg2[%add3A_350, %dma_start3A_359] : memref<320000x128xf32, #tpu.memory_space<hbm>> -> memref<40x128xf32, #tpu.memory_space<hbm>>
        tpu.enqueue_dma source(%dma_start3A_360 : memref<40x128xf32, #tpu.memory_space<hbm>>) target(%dma_start3A_358 : memref<40x128xf32, #tpu.memory_space<vmem>>) target_semaphore(%arg9 : memref<!tpu.dma_semaphore, #tpu.memory_space<semaphore_mem>>)
        %add3A_361 = arith.constant 40 : i32
        %add3A_362 = arith.addi %add3A_350, %add3A_361 : i32
        %dma_start3A_363 = arith.constant 40 : i32
        %dma_start3A_364 = arith.constant 0 : i32
        %dma_start3A_365 = tpu.memref_slice %arg6[%dma_start3A_363, %dma_start3A_364] : memref<80x128xf32, #tpu.memory_space<vmem>> -> memref<40x128xf32, #tpu.memory_space<vmem>>
        %dma_start3A_366 = arith.constant 0 : i32
        %dma_start3A_367 = tpu.memref_slice %arg2[%add3A_362, %dma_start3A_366] : memref<320000x128xf32, #tpu.memory_space<hbm>> -> memref<40x128xf32, #tpu.memory_space<hbm>>
        %dma_start3A_368 = arith.constant 40 : i32
        %dma_start3A_369 = arith.constant 0 : i32
        %dma_start3A_370 = tpu.memref_slice %arg6[%dma_start3A_368, %dma_start3A_369] : memref<80x128xf32, #tpu.memory_space<vmem>> -> memref<40x128xf32, #tpu.memory_space<vmem>>
        %dma_start3A_371 = arith.constant 0 : i32
        %dma_start3A_372 = tpu.memref_slice %arg2[%add3A_362, %dma_start3A_371] : memref<320000x128xf32, #tpu.memory_space<hbm>> -> memref<40x128xf32, #tpu.memory_space<hbm>>
        tpu.enqueue_dma source(%dma_start3A_372 : memref<40x128xf32, #tpu.memory_space<hbm>>) target(%dma_start3A_370 : memref<40x128xf32, #tpu.memory_space<vmem>>) target_semaphore(%arg9 : memref<!tpu.dma_semaphore, #tpu.memory_space<semaphore_mem>>)
      } else {
      }
      %mul3A_298 = arith.constant 3 : i32
      %mul3A_299 = arith.muli %scan3A_211, %mul3A_298 : i32
      %add3A_300 = arith.constant 2 : i32
      %add3A_301 = arith.addi %mul3A_299, %add3A_300 : i32
      %dma_wait3A_302 = arith.constant 0 : i32
      %dma_wait3A_303 = arith.constant 0 : i32
      %dma_wait3A_304 = tpu.memref_slice %arg8[%dma_wait3A_302, %dma_wait3A_303] : memref<80x128xf32, #tpu.memory_space<vmem>> -> memref<40x128xf32, #tpu.memory_space<vmem>>
      %dma_wait3A_305 = arith.constant 0 : i32
      %dma_wait3A_306 = arith.constant 0 : i32
      %dma_wait3A_307 = tpu.memref_slice %arg2[%dma_wait3A_305, %dma_wait3A_306] : memref<320000x128xf32, #tpu.memory_space<hbm>> -> memref<40x128xf32, #tpu.memory_space<hbm>>
      %dma_wait3A_308 = arith.constant 0 : i32
      %dma_wait3A_309 = arith.constant 0 : i32
      %dma_wait3A_310 = tpu.memref_slice %arg8[%dma_wait3A_308, %dma_wait3A_309] : memref<80x128xf32, #tpu.memory_space<vmem>> -> memref<40x128xf32, #tpu.memory_space<vmem>>
      %dma_wait3A_311 = arith.constant 0 : i32
      %dma_wait3A_312 = arith.constant 0 : i32
      %dma_wait3A_313 = tpu.memref_slice %arg2[%dma_wait3A_311, %dma_wait3A_312] : memref<320000x128xf32, #tpu.memory_space<hbm>> -> memref<40x128xf32, #tpu.memory_space<hbm>>
      tpu.wait_dma2 semaphore(%arg11 : memref<!tpu.dma_semaphore, #tpu.memory_space<semaphore_mem>>) src(%dma_wait3A_313 : memref<40x128xf32, #tpu.memory_space<hbm>>) dst(%dma_wait3A_310 : memref<40x128xf32, #tpu.memory_space<vmem>>)
      %dma_wait3A_314 = arith.constant 0 : i32
      %dma_wait3A_315 = arith.constant 0 : i32
      %dma_wait3A_316 = tpu.memref_slice %arg8[%dma_wait3A_314, %dma_wait3A_315] : memref<80x128xf32, #tpu.memory_space<vmem>> -> memref<40x128xf32, #tpu.memory_space<vmem>>
      %dma_wait3A_317 = arith.constant 0 : i32
      %dma_wait3A_318 = arith.constant 0 : i32
      %dma_wait3A_319 = tpu.memref_slice %arg2[%dma_wait3A_317, %dma_wait3A_318] : memref<320000x128xf32, #tpu.memory_space<hbm>> -> memref<40x128xf32, #tpu.memory_space<hbm>>
      %dma_wait3A_320 = arith.constant 0 : i32
      %dma_wait3A_321 = arith.constant 0 : i32
      %dma_wait3A_322 = tpu.memref_slice %arg8[%dma_wait3A_320, %dma_wait3A_321] : memref<80x128xf32, #tpu.memory_space<vmem>> -> memref<40x128xf32, #tpu.memory_space<vmem>>
      %dma_wait3A_323 = arith.constant 0 : i32
      %dma_wait3A_324 = arith.constant 0 : i32
      %dma_wait3A_325 = tpu.memref_slice %arg2[%dma_wait3A_323, %dma_wait3A_324] : memref<320000x128xf32, #tpu.memory_space<hbm>> -> memref<40x128xf32, #tpu.memory_space<hbm>>
      tpu.wait_dma2 semaphore(%arg11 : memref<!tpu.dma_semaphore, #tpu.memory_space<semaphore_mem>>) src(%dma_wait3A_325 : memref<40x128xf32, #tpu.memory_space<hbm>>) dst(%dma_wait3A_322 : memref<40x128xf32, #tpu.memory_space<vmem>>)
      %dma_start3A_326 = arith.constant 0 : i32
      %dma_start3A_327 = tpu.memref_slice %arg5[%add3A_301, %dma_start3A_326] : memref<125x80xi32, #tpu.memory_space<vmem>> -> memref<1x80xi32, #tpu.memory_space<vmem>>
      %dma_start3A_328 = tpu.memref_squeeze %dma_start3A_327 : memref<1x80xi32, #tpu.memory_space<vmem>> -> memref<80xi32, #tpu.memory_space<vmem>>
      %dma_start3A_329 = arith.constant 0 : i32
      %dma_start3A_330 = arith.constant 0 : i32
      %dma_start3A_331 = tpu.memref_slice %arg16[%dma_start3A_329, %dma_start3A_330] : memref<10000x128xf32, #tpu.memory_space<vmem_shared>> -> memref<10000x128xf32, #tpu.memory_space<vmem_shared>>
      tpu.enqueue_indirect_dma source(%arg8 : memref<80x128xf32, #tpu.memory_space<vmem>>) target(%dma_start3A_331 : memref<10000x128xf32, #tpu.memory_space<vmem_shared>>) offsets(%dma_start3A_328 : memref<80xi32, #tpu.memory_space<vmem>>) semaphore(%arg14 : memref<!tpu.dma_semaphore, #tpu.memory_space<semaphore_mem>>) {add = true}
      %dma_wait3A_332 = arith.constant 0 : i32
      %dma_wait3A_333 = arith.constant 0 : i32
      %dma_wait3A_334 = tpu.memref_slice %arg16[%dma_wait3A_332, %dma_wait3A_333] : memref<10000x128xf32, #tpu.memory_space<vmem_shared>> -> memref<80x128xf32, #tpu.memory_space<vmem_shared>>
      %dma_wait3A_335 = arith.constant 0 : i32
      %dma_wait3A_336 = arith.constant 0 : i32
      %dma_wait3A_337 = tpu.memref_slice %arg16[%dma_wait3A_335, %dma_wait3A_336] : memref<10000x128xf32, #tpu.memory_space<vmem_shared>> -> memref<80x128xf32, #tpu.memory_space<vmem_shared>>
      tpu.wait_dma2 semaphore(%arg13 : memref<!tpu.dma_semaphore, #tpu.memory_space<semaphore_mem>>) src(%arg7 : memref<80x128xf32, #tpu.memory_space<vmem>>) dst(%dma_wait3A_337 : memref<80x128xf32, #tpu.memory_space<vmem_shared>>)
      %sub3A_338 = arith.constant 1 : i32
      %sub3A_339 = arith.subi %add3A_301, %sub3A_338 : i32
      %add3A_340 = arith.constant 3 : i32
      %add3A_341 = arith.addi %sub3A_339, %add3A_340 : i32
      %lt3A_342 = arith.constant 125 : i32
      %lt3A_343 = arith.cmpi slt, %add3A_341, %lt3A_342 : i32
      %convert_element_type3A_344 = arith.extui %lt3A_343 : i1 to i32
      %cond3A_345 = arith.constant 0 : i32
      %cond3A_346 = arith.cmpi ne, %convert_element_type3A_344, %cond3A_345 : i32
      scf.if %cond3A_346 {
        %mul3A_348 = arith.constant 80 : i32
        %mul3A_349 = arith.muli %add3A_341, %mul3A_348 : i32
        %add3A_350 = arith.addi %mul3A_2, %mul3A_349 : i32
        %dma_start3A_351 = arith.constant 0 : i32
        %dma_start3A_352 = arith.constant 0 : i32
        %dma_start3A_353 = tpu.memref_slice %arg7[%dma_start3A_351, %dma_start3A_352] : memref<80x128xf32, #tpu.memory_space<vmem>> -> memref<40x128xf32, #tpu.memory_space<vmem>>
        %dma_start3A_354 = arith.constant 0 : i32
        %dma_start3A_355 = tpu.memref_slice %arg2[%add3A_350, %dma_start3A_354] : memref<320000x128xf32, #tpu.memory_space<hbm>> -> memref<40x128xf32, #tpu.memory_space<hbm>>
        %dma_start3A_356 = arith.constant 0 : i32
        %dma_start3A_357 = arith.constant 0 : i32
        %dma_start3A_358 = tpu.memref_slice %arg7[%dma_start3A_356, %dma_start3A_357] : memref<80x128xf32, #tpu.memory_space<vmem>> -> memref<40x128xf32, #tpu.memory_space<vmem>>
        %dma_start3A_359 = arith.constant 0 : i32
        %dma_start3A_360 = tpu.memref_slice %arg2[%add3A_350, %dma_start3A_359] : memref<320000x128xf32, #tpu.memory_space<hbm>> -> memref<40x128xf32, #tpu.memory_space<hbm>>
        tpu.enqueue_dma source(%dma_start3A_360 : memref<40x128xf32, #tpu.memory_space<hbm>>) target(%dma_start3A_358 : memref<40x128xf32, #tpu.memory_space<vmem>>) target_semaphore(%arg10 : memref<!tpu.dma_semaphore, #tpu.memory_space<semaphore_mem>>)
        %add3A_361 = arith.constant 40 : i32
        %add3A_362 = arith.addi %add3A_350, %add3A_361 : i32
        %dma_start3A_363 = arith.constant 40 : i32
        %dma_start3A_364 = arith.constant 0 : i32
        %dma_start3A_365 = tpu.memref_slice %arg7[%dma_start3A_363, %dma_start3A_364] : memref<80x128xf32, #tpu.memory_space<vmem>> -> memref<40x128xf32, #tpu.memory_space<vmem>>
        %dma_start3A_366 = arith.constant 0 : i32
        %dma_start3A_367 = tpu.memref_slice %arg2[%add3A_362, %dma_start3A_366] : memref<320000x128xf32, #tpu.memory_space<hbm>> -> memref<40x128xf32, #tpu.memory_space<hbm>>
        %dma_start3A_368 = arith.constant 40 : i32
        %dma_start3A_369 = arith.constant 0 : i32
        %dma_start3A_370 = tpu.memref_slice %arg7[%dma_start3A_368, %dma_start3A_369] : memref<80x128xf32, #tpu.memory_space<vmem>> -> memref<40x128xf32, #tpu.memory_space<vmem>>
        %dma_start3A_371 = arith.constant 0 : i32
        %dma_start3A_372 = tpu.memref_slice %arg2[%add3A_362, %dma_start3A_371] : memref<320000x128xf32, #tpu.memory_space<hbm>> -> memref<40x128xf32, #tpu.memory_space<hbm>>
        tpu.enqueue_dma source(%dma_start3A_372 : memref<40x128xf32, #tpu.memory_space<hbm>>) target(%dma_start3A_370 : memref<40x128xf32, #tpu.memory_space<vmem>>) target_semaphore(%arg10 : memref<!tpu.dma_semaphore, #tpu.memory_space<semaphore_mem>>)
      } else {
      }
      %scan3A_347 = arith.constant 0 : i32
      scf.yield %scan3A_347 : i32
    }
    %scan3A_124 = arith.constant 41 : i32
    %dma_wait3A_125 = arith.constant 0 : i32
    %dma_wait3A_126 = arith.constant 0 : i32
    %dma_wait3A_127 = tpu.memref_slice %arg6[%dma_wait3A_125, %dma_wait3A_126] : memref<80x128xf32, #tpu.memory_space<vmem>> -> memref<40x128xf32, #tpu.memory_space<vmem>>
    %dma_wait3A_128 = arith.constant 0 : i32
    %dma_wait3A_129 = arith.constant 0 : i32
    %dma_wait3A_130 = tpu.memref_slice %arg2[%dma_wait3A_128, %dma_wait3A_129] : memref<320000x128xf32, #tpu.memory_space<hbm>> -> memref<40x128xf32, #tpu.memory_space<hbm>>
    %dma_wait3A_131 = arith.constant 0 : i32
    %dma_wait3A_132 = arith.constant 0 : i32
    %dma_wait3A_133 = tpu.memref_slice %arg6[%dma_wait3A_131, %dma_wait3A_132] : memref<80x128xf32, #tpu.memory_space<vmem>> -> memref<40x128xf32, #tpu.memory_space<vmem>>
    %dma_wait3A_134 = arith.constant 0 : i32
    %dma_wait3A_135 = arith.constant 0 : i32
    %dma_wait3A_136 = tpu.memref_slice %arg2[%dma_wait3A_134, %dma_wait3A_135] : memref<320000x128xf32, #tpu.memory_space<hbm>> -> memref<40x128xf32, #tpu.memory_space<hbm>>
    tpu.wait_dma2 semaphore(%arg9 : memref<!tpu.dma_semaphore, #tpu.memory_space<semaphore_mem>>) src(%dma_wait3A_136 : memref<40x128xf32, #tpu.memory_space<hbm>>) dst(%dma_wait3A_133 : memref<40x128xf32, #tpu.memory_space<vmem>>)
    %dma_wait3A_137 = arith.constant 0 : i32
    %dma_wait3A_138 = arith.constant 0 : i32
    %dma_wait3A_139 = tpu.memref_slice %arg6[%dma_wait3A_137, %dma_wait3A_138] : memref<80x128xf32, #tpu.memory_space<vmem>> -> memref<40x128xf32, #tpu.memory_space<vmem>>
    %dma_wait3A_140 = arith.constant 0 : i32
    %dma_wait3A_141 = arith.constant 0 : i32
    %dma_wait3A_142 = tpu.memref_slice %arg2[%dma_wait3A_140, %dma_wait3A_141] : memref<320000x128xf32, #tpu.memory_space<hbm>> -> memref<40x128xf32, #tpu.memory_space<hbm>>
    %dma_wait3A_143 = arith.constant 0 : i32
    %dma_wait3A_144 = arith.constant 0 : i32
    %dma_wait3A_145 = tpu.memref_slice %arg6[%dma_wait3A_143, %dma_wait3A_144] : memref<80x128xf32, #tpu.memory_space<vmem>> -> memref<40x128xf32, #tpu.memory_space<vmem>>
    %dma_wait3A_146 = arith.constant 0 : i32
    %dma_wait3A_147 = arith.constant 0 : i32
    %dma_wait3A_148 = tpu.memref_slice %arg2[%dma_wait3A_146, %dma_wait3A_147] : memref<320000x128xf32, #tpu.memory_space<hbm>> -> memref<40x128xf32, #tpu.memory_space<hbm>>
    tpu.wait_dma2 semaphore(%arg9 : memref<!tpu.dma_semaphore, #tpu.memory_space<semaphore_mem>>) src(%dma_wait3A_148 : memref<40x128xf32, #tpu.memory_space<hbm>>) dst(%dma_wait3A_145 : memref<40x128xf32, #tpu.memory_space<vmem>>)
    %dma_start3A_149 = arith.constant 123 : i32
    %dma_start3A_150 = arith.constant 0 : i32
    %dma_start3A_151 = tpu.memref_slice %arg5[%dma_start3A_149, %dma_start3A_150] : memref<125x80xi32, #tpu.memory_space<vmem>> -> memref<1x80xi32, #tpu.memory_space<vmem>>
    %dma_start3A_152 = tpu.memref_squeeze %dma_start3A_151 : memref<1x80xi32, #tpu.memory_space<vmem>> -> memref<80xi32, #tpu.memory_space<vmem>>
    %dma_start3A_153 = arith.constant 0 : i32
    %dma_start3A_154 = arith.constant 0 : i32
    %dma_start3A_155 = tpu.memref_slice %arg16[%dma_start3A_153, %dma_start3A_154] : memref<10000x128xf32, #tpu.memory_space<vmem_shared>> -> memref<10000x128xf32, #tpu.memory_space<vmem_shared>>
    tpu.enqueue_indirect_dma source(%arg6 : memref<80x128xf32, #tpu.memory_space<vmem>>) target(%dma_start3A_155 : memref<10000x128xf32, #tpu.memory_space<vmem_shared>>) offsets(%dma_start3A_152 : memref<80xi32, #tpu.memory_space<vmem>>) semaphore(%arg12 : memref<!tpu.dma_semaphore, #tpu.memory_space<semaphore_mem>>) {add = true}
    %dma_wait3A_156 = arith.constant 0 : i32
    %dma_wait3A_157 = arith.constant 0 : i32
    %dma_wait3A_158 = tpu.memref_slice %arg7[%dma_wait3A_156, %dma_wait3A_157] : memref<80x128xf32, #tpu.memory_space<vmem>> -> memref<40x128xf32, #tpu.memory_space<vmem>>
    %dma_wait3A_159 = arith.constant 0 : i32
    %dma_wait3A_160 = arith.constant 0 : i32
    %dma_wait3A_161 = tpu.memref_slice %arg2[%dma_wait3A_159, %dma_wait3A_160] : memref<320000x128xf32, #tpu.memory_space<hbm>> -> memref<40x128xf32, #tpu.memory_space<hbm>>
    %dma_wait3A_162 = arith.constant 0 : i32
    %dma_wait3A_163 = arith.constant 0 : i32
    %dma_wait3A_164 = tpu.memref_slice %arg7[%dma_wait3A_162, %dma_wait3A_163] : memref<80x128xf32, #tpu.memory_space<vmem>> -> memref<40x128xf32, #tpu.memory_space<vmem>>
    %dma_wait3A_165 = arith.constant 0 : i32
    %dma_wait3A_166 = arith.constant 0 : i32
    %dma_wait3A_167 = tpu.memref_slice %arg2[%dma_wait3A_165, %dma_wait3A_166] : memref<320000x128xf32, #tpu.memory_space<hbm>> -> memref<40x128xf32, #tpu.memory_space<hbm>>
    tpu.wait_dma2 semaphore(%arg10 : memref<!tpu.dma_semaphore, #tpu.memory_space<semaphore_mem>>) src(%dma_wait3A_167 : memref<40x128xf32, #tpu.memory_space<hbm>>) dst(%dma_wait3A_164 : memref<40x128xf32, #tpu.memory_space<vmem>>)
    %dma_wait3A_168 = arith.constant 0 : i32
    %dma_wait3A_169 = arith.constant 0 : i32
    %dma_wait3A_170 = tpu.memref_slice %arg7[%dma_wait3A_168, %dma_wait3A_169] : memref<80x128xf32, #tpu.memory_space<vmem>> -> memref<40x128xf32, #tpu.memory_space<vmem>>
    %dma_wait3A_171 = arith.constant 0 : i32
    %dma_wait3A_172 = arith.constant 0 : i32
    %dma_wait3A_173 = tpu.memref_slice %arg2[%dma_wait3A_171, %dma_wait3A_172] : memref<320000x128xf32, #tpu.memory_space<hbm>> -> memref<40x128xf32, #tpu.memory_space<hbm>>
    %dma_wait3A_174 = arith.constant 0 : i32
    %dma_wait3A_175 = arith.constant 0 : i32
    %dma_wait3A_176 = tpu.memref_slice %arg7[%dma_wait3A_174, %dma_wait3A_175] : memref<80x128xf32, #tpu.memory_space<vmem>> -> memref<40x128xf32, #tpu.memory_space<vmem>>
    %dma_wait3A_177 = arith.constant 0 : i32
    %dma_wait3A_178 = arith.constant 0 : i32
    %dma_wait3A_179 = tpu.memref_slice %arg2[%dma_wait3A_177, %dma_wait3A_178] : memref<320000x128xf32, #tpu.memory_space<hbm>> -> memref<40x128xf32, #tpu.memory_space<hbm>>
    tpu.wait_dma2 semaphore(%arg10 : memref<!tpu.dma_semaphore, #tpu.memory_space<semaphore_mem>>) src(%dma_wait3A_179 : memref<40x128xf32, #tpu.memory_space<hbm>>) dst(%dma_wait3A_176 : memref<40x128xf32, #tpu.memory_space<vmem>>)
    %dma_start3A_180 = arith.constant 124 : i32
    %dma_start3A_181 = arith.constant 0 : i32
    %dma_start3A_182 = tpu.memref_slice %arg5[%dma_start3A_180, %dma_start3A_181] : memref<125x80xi32, #tpu.memory_space<vmem>> -> memref<1x80xi32, #tpu.memory_space<vmem>>
    %dma_start3A_183 = tpu.memref_squeeze %dma_start3A_182 : memref<1x80xi32, #tpu.memory_space<vmem>> -> memref<80xi32, #tpu.memory_space<vmem>>
    %dma_start3A_184 = arith.constant 0 : i32
    %dma_start3A_185 = arith.constant 0 : i32
    %dma_start3A_186 = tpu.memref_slice %arg16[%dma_start3A_184, %dma_start3A_185] : memref<10000x128xf32, #tpu.memory_space<vmem_shared>> -> memref<10000x128xf32, #tpu.memory_space<vmem_shared>>
    tpu.enqueue_indirect_dma source(%arg7 : memref<80x128xf32, #tpu.memory_space<vmem>>) target(%dma_start3A_186 : memref<10000x128xf32, #tpu.memory_space<vmem_shared>>) offsets(%dma_start3A_183 : memref<80xi32, #tpu.memory_space<vmem>>) semaphore(%arg13 : memref<!tpu.dma_semaphore, #tpu.memory_space<semaphore_mem>>) {add = true}
    %dma_wait3A_187 = arith.constant 0 : i32
    %dma_wait3A_188 = arith.constant 0 : i32
    %dma_wait3A_189 = tpu.memref_slice %arg16[%dma_wait3A_187, %dma_wait3A_188] : memref<10000x128xf32, #tpu.memory_space<vmem_shared>> -> memref<80x128xf32, #tpu.memory_space<vmem_shared>>
    %dma_wait3A_190 = arith.constant 0 : i32
    %dma_wait3A_191 = arith.constant 0 : i32
    %dma_wait3A_192 = tpu.memref_slice %arg16[%dma_wait3A_190, %dma_wait3A_191] : memref<10000x128xf32, #tpu.memory_space<vmem_shared>> -> memref<80x128xf32, #tpu.memory_space<vmem_shared>>
    tpu.wait_dma2 semaphore(%arg14 : memref<!tpu.dma_semaphore, #tpu.memory_space<semaphore_mem>>) src(%arg8 : memref<80x128xf32, #tpu.memory_space<vmem>>) dst(%dma_wait3A_192 : memref<80x128xf32, #tpu.memory_space<vmem_shared>>)
    %dma_wait3A_193 = arith.constant 0 : i32
    %dma_wait3A_194 = arith.constant 0 : i32
    %dma_wait3A_195 = tpu.memref_slice %arg16[%dma_wait3A_193, %dma_wait3A_194] : memref<10000x128xf32, #tpu.memory_space<vmem_shared>> -> memref<80x128xf32, #tpu.memory_space<vmem_shared>>
    %dma_wait3A_196 = arith.constant 0 : i32
    %dma_wait3A_197 = arith.constant 0 : i32
    %dma_wait3A_198 = tpu.memref_slice %arg16[%dma_wait3A_196, %dma_wait3A_197] : memref<10000x128xf32, #tpu.memory_space<vmem_shared>> -> memref<80x128xf32, #tpu.memory_space<vmem_shared>>
    tpu.wait_dma2 semaphore(%arg12 : memref<!tpu.dma_semaphore, #tpu.memory_space<semaphore_mem>>) src(%arg6 : memref<80x128xf32, #tpu.memory_space<vmem>>) dst(%dma_wait3A_198 : memref<80x128xf32, #tpu.memory_space<vmem_shared>>)
    %dma_wait3A_199 = arith.constant 0 : i32
    %dma_wait3A_200 = arith.constant 0 : i32
    %dma_wait3A_201 = tpu.memref_slice %arg16[%dma_wait3A_199, %dma_wait3A_200] : memref<10000x128xf32, #tpu.memory_space<vmem_shared>> -> memref<80x128xf32, #tpu.memory_space<vmem_shared>>
    %dma_wait3A_202 = arith.constant 0 : i32
    %dma_wait3A_203 = arith.constant 0 : i32
    %dma_wait3A_204 = tpu.memref_slice %arg16[%dma_wait3A_202, %dma_wait3A_203] : memref<10000x128xf32, #tpu.memory_space<vmem_shared>> -> memref<80x128xf32, #tpu.memory_space<vmem_shared>>
    tpu.wait_dma2 semaphore(%arg13 : memref<!tpu.dma_semaphore, #tpu.memory_space<semaphore_mem>>) src(%arg7 : memref<80x128xf32, #tpu.memory_space<vmem>>) dst(%dma_wait3A_204 : memref<80x128xf32, #tpu.memory_space<vmem_shared>>)
    %barrier3A_205 = arith.constant 0 : index
    tpu.barrier barrier_id(%barrier3A_205)
    "tpu.region"() ({
      %run_scoped3A = tpu.sem_alloc : memref<!tpu.dma_semaphore, #tpu.memory_space<semaphore_mem>>
      %dma_start3A_211 = arith.constant 0 : i32
      %dma_start3A_212 = tpu.memref_slice %arg4[%arg0, %mul3A_12, %dma_start3A_211] : memref<2x10000x128xf32, #tpu.memory_space<hbm>> -> memref<1x624x128xf32, #tpu.memory_space<hbm>>
      %dma_start3A_213 = tpu.memref_squeeze %dma_start3A_212 : memref<1x624x128xf32, #tpu.memory_space<hbm>> -> memref<624x128xf32, #tpu.memory_space<hbm>>
      %dma_start3A_214 = arith.constant 0 : i32
      %dma_start3A_215 = tpu.memref_slice %arg16[%mul3A_12, %dma_start3A_214] : memref<10000x128xf32, #tpu.memory_space<vmem_shared>> -> memref<624x128xf32, #tpu.memory_space<vmem_shared>>
      tpu.enqueue_dma source(%dma_start3A_215 : memref<624x128xf32, #tpu.memory_space<vmem_shared>>) target(%dma_start3A_213 : memref<624x128xf32, #tpu.memory_space<hbm>>) target_semaphore(%run_scoped3A : memref<!tpu.dma_semaphore, #tpu.memory_space<semaphore_mem>>)
      %dma_wait3A_216 = arith.constant 0 : i32
      %dma_wait3A_217 = tpu.memref_slice %arg4[%arg0, %mul3A_12, %dma_wait3A_216] : memref<2x10000x128xf32, #tpu.memory_space<hbm>> -> memref<1x624x128xf32, #tpu.memory_space<hbm>>
      %dma_wait3A_218 = tpu.memref_squeeze %dma_wait3A_217 : memref<1x624x128xf32, #tpu.memory_space<hbm>> -> memref<624x128xf32, #tpu.memory_space<hbm>>
      %dma_wait3A_219 = arith.constant 0 : i32
      %dma_wait3A_220 = tpu.memref_slice %arg16[%mul3A_12, %dma_wait3A_219] : memref<10000x128xf32, #tpu.memory_space<vmem_shared>> -> memref<624x128xf32, #tpu.memory_space<vmem_shared>>
      tpu.wait_dma2 semaphore(%run_scoped3A : memref<!tpu.dma_semaphore, #tpu.memory_space<semaphore_mem>>) src(%dma_wait3A_220 : memref<624x128xf32, #tpu.memory_space<vmem_shared>>) dst(%dma_wait3A_218 : memref<624x128xf32, #tpu.memory_space<hbm>>)
      tpu.yield
    }) : () -> ()
    %eq3A_206 = arith.constant 0 : i32
    %eq3A_207 = arith.cmpi eq, %arg1, %eq3A_206 : i32
    %convert_element_type3A_208 = arith.extui %eq3A_207 : i1 to i32
    %cond3A_209 = arith.constant 0 : i32
    %cond3A_210 = arith.cmpi ne, %convert_element_type3A_208, %cond3A_209 : i32
    scf.if %cond3A_210 {
      "tpu.region"() ({
        %run_scoped3A = tpu.sem_alloc : memref<!tpu.dma_semaphore, #tpu.memory_space<semaphore_mem>>
        %dma_start3A_211 = arith.constant 9984 : i32
        %dma_start3A_212 = arith.constant 0 : i32
        %dma_start3A_213 = tpu.memref_slice %arg4[%arg0, %dma_start3A_211, %dma_start3A_212] : memref<2x10000x128xf32, #tpu.memory_space<hbm>> -> memref<1x16x128xf32, #tpu.memory_space<hbm>>
        %dma_start3A_214 = tpu.memref_squeeze %dma_start3A_213 : memref<1x16x128xf32, #tpu.memory_space<hbm>> -> memref<16x128xf32, #tpu.memory_space<hbm>>
        %dma_start3A_215 = arith.constant 9984 : i32
        %dma_start3A_216 = arith.constant 0 : i32
        %dma_start3A_217 = tpu.memref_slice %arg16[%dma_start3A_215, %dma_start3A_216] : memref<10000x128xf32, #tpu.memory_space<vmem_shared>> -> memref<16x128xf32, #tpu.memory_space<vmem_shared>>
        tpu.enqueue_dma source(%dma_start3A_217 : memref<16x128xf32, #tpu.memory_space<vmem_shared>>) target(%dma_start3A_214 : memref<16x128xf32, #tpu.memory_space<hbm>>) target_semaphore(%run_scoped3A : memref<!tpu.dma_semaphore, #tpu.memory_space<semaphore_mem>>)
        %dma_wait3A_218 = arith.constant 9984 : i32
        %dma_wait3A_219 = arith.constant 0 : i32
        %dma_wait3A_220 = tpu.memref_slice %arg4[%arg0, %dma_wait3A_218, %dma_wait3A_219] : memref<2x10000x128xf32, #tpu.memory_space<hbm>> -> memref<1x16x128xf32, #tpu.memory_space<hbm>>
        %dma_wait3A_221 = tpu.memref_squeeze %dma_wait3A_220 : memref<1x16x128xf32, #tpu.memory_space<hbm>> -> memref<16x128xf32, #tpu.memory_space<hbm>>
        %dma_wait3A_222 = arith.constant 9984 : i32
        %dma_wait3A_223 = arith.constant 0 : i32
        %dma_wait3A_224 = tpu.memref_slice %arg16[%dma_wait3A_222, %dma_wait3A_223] : memref<10000x128xf32, #tpu.memory_space<vmem_shared>> -> memref<16x128xf32, #tpu.memory_space<vmem_shared>>
        tpu.wait_dma2 semaphore(%run_scoped3A : memref<!tpu.dma_semaphore, #tpu.memory_space<semaphore_mem>>) src(%dma_wait3A_224 : memref<16x128xf32, #tpu.memory_space<vmem_shared>>) dst(%dma_wait3A_221 : memref<16x128xf32, #tpu.memory_space<hbm>>)
        tpu.yield
      }) : () -> ()
    } else {
    }
    return
  }
}

module attributes {stable_mosaic.version = 14 : i64} {
  func.func @add_body(%arg0: i32, %arg1: memref<2x10000x128xf32, #tpu.memory_space<any>>, %arg2: memref<1000x128xf32, #tpu.memory_space<vmem>>, %arg3: memref<2x1000x128xf32, #tpu.memory_space<vmem>>, %arg4: memref<2x1000x128xf32, #tpu.memory_space<vmem>>, %arg5: memref<!tpu.dma_semaphore, #tpu.memory_space<semaphore_mem>>, %arg6: memref<!tpu.dma_semaphore, #tpu.memory_space<semaphore_mem>>) attributes {dimension_semantics = [#tpu.dimension_semantics<arbitrary>], iteration_bounds = array<i64: 10>, scalar_prefetch = 0 : i64, scratch_operands = 4 : i64, tpu.core_type = #tpu.core_type<tc>, window_params = [{}, {transform_indices = @transform_1, window_bounds = array<i64: 1000, 128>}]} {
    %eq3A = arith.constant 0 : i32
    %eq3A_0 = arith.cmpi eq, %arg0, %eq3A : i32
    %convert_element_type3A = arith.extui %eq3A_0 : i1 to i32
    %cond3A = arith.constant 0 : i32
    %cond3A_1 = arith.cmpi ne, %convert_element_type3A, %cond3A : i32
    scf.if %cond3A_1 {
      %dma_start3A = arith.constant 0 : i32
      %dma_start3A_44 = arith.constant 0 : i32
      %dma_start3A_45 = arith.constant 0 : i32
      %dma_start3A_46 = tpu.memref_slice %arg1[%dma_start3A, %dma_start3A_44, %dma_start3A_45] : memref<2x10000x128xf32, #tpu.memory_space<any>> -> memref<2x1000x128xf32, #tpu.memory_space<any>>
      tpu.enqueue_dma source(%dma_start3A_46 : memref<2x1000x128xf32, #tpu.memory_space<any>>) target(%arg3 : memref<2x1000x128xf32, #tpu.memory_space<vmem>>) target_semaphore(%arg5 : memref<!tpu.dma_semaphore, #tpu.memory_space<semaphore_mem>>)
    } else {
    }
    %add3A = arith.constant 1 : i32
    %add3A_2 = arith.addi %arg0, %add3A : i32
    %lt3A = arith.constant 10 : i32
    %lt3A_3 = arith.cmpi slt, %add3A_2, %lt3A : i32
    %convert_element_type3A_4 = arith.extui %lt3A_3 : i1 to i32
    %cond3A_5 = arith.constant 0 : i32
    %cond3A_6 = arith.cmpi ne, %convert_element_type3A_4, %cond3A_5 : i32
    scf.if %cond3A_6 {
      %add3A_44 = arith.constant 1 : i32
      %add3A_45 = arith.addi %arg0, %add3A_44 : i32
      %jit3A_46 = arith.constant 2 : i32
      %eq3A_47 = arith.constant 0 : i32
      %eq3A_48 = arith.cmpi eq, %jit3A_46, %eq3A_47 : i32
      %jit3A_49 = arith.constant 1 : i32
      %select_n3A_50 = arith.select %eq3A_48, %jit3A_49, %jit3A_46 : i32
      %rem3A_51 = arith.remsi %add3A_45, %select_n3A_50 : i32
      %ne3A_52 = arith.constant 0 : i32
      %ne3A_53 = arith.cmpi ne, %rem3A_51, %ne3A_52 : i32
      %lt3A_54 = arith.constant 0 : i32
      %lt3A_55 = arith.cmpi slt, %rem3A_51, %lt3A_54 : i32
      %lt3A_56 = arith.constant 0 : i32
      %lt3A_57 = arith.cmpi slt, %select_n3A_50, %lt3A_56 : i32
      %ne3A_58 = arith.xori %lt3A_55, %lt3A_57 : i1
      %and3A_59 = arith.andi %ne3A_58, %ne3A_53 : i1
      %add3A_60 = arith.addi %rem3A_51, %select_n3A_50 : i32
      %select_n3A_61 = arith.select %and3A_59, %add3A_60, %rem3A_51 : i32
      %eq3A_62 = arith.constant 0 : i32
      %eq3A_63 = arith.cmpi eq, %select_n3A_61, %eq3A_62 : i32
      %convert_element_type3A_64 = arith.extui %eq3A_63 : i1 to i32
      %cond3A_65 = arith.constant 0 : i32
      %cond3A_66 = arith.cmpi ne, %convert_element_type3A_64, %cond3A_65 : i32
      scf.if %cond3A_66 {
        %add3A_90 = arith.constant 1 : i32
        %add3A_91 = arith.addi %arg0, %add3A_90 : i32
        %mul3A = arith.constant 1000 : i32
        %mul3A_92 = arith.muli %add3A_91, %mul3A : i32
        %dma_start3A = arith.constant 0 : i32
        %dma_start3A_93 = arith.constant 0 : i32
        %dma_start3A_94 = tpu.memref_slice %arg1[%dma_start3A, %mul3A_92, %dma_start3A_93] : memref<2x10000x128xf32, #tpu.memory_space<any>> -> memref<2x1000x128xf32, #tpu.memory_space<any>>
        tpu.enqueue_dma source(%dma_start3A_94 : memref<2x1000x128xf32, #tpu.memory_space<any>>) target(%arg3 : memref<2x1000x128xf32, #tpu.memory_space<vmem>>) target_semaphore(%arg5 : memref<!tpu.dma_semaphore, #tpu.memory_space<semaphore_mem>>)
      } else {
      }
      %add3A_67 = arith.constant 1 : i32
      %add3A_68 = arith.addi %arg0, %add3A_67 : i32
      %jit3A_69 = arith.constant 2 : i32
      %eq3A_70 = arith.constant 0 : i32
      %eq3A_71 = arith.cmpi eq, %jit3A_69, %eq3A_70 : i32
      %jit3A_72 = arith.constant 1 : i32
      %select_n3A_73 = arith.select %eq3A_71, %jit3A_72, %jit3A_69 : i32
      %rem3A_74 = arith.remsi %add3A_68, %select_n3A_73 : i32
      %ne3A_75 = arith.constant 0 : i32
      %ne3A_76 = arith.cmpi ne, %rem3A_74, %ne3A_75 : i32
      %lt3A_77 = arith.constant 0 : i32
      %lt3A_78 = arith.cmpi slt, %rem3A_74, %lt3A_77 : i32
      %lt3A_79 = arith.constant 0 : i32
      %lt3A_80 = arith.cmpi slt, %select_n3A_73, %lt3A_79 : i32
      %ne3A_81 = arith.xori %lt3A_78, %lt3A_80 : i1
      %and3A_82 = arith.andi %ne3A_81, %ne3A_76 : i1
      %add3A_83 = arith.addi %rem3A_74, %select_n3A_73 : i32
      %select_n3A_84 = arith.select %and3A_82, %add3A_83, %rem3A_74 : i32
      %eq3A_85 = arith.constant 1 : i32
      %eq3A_86 = arith.cmpi eq, %select_n3A_84, %eq3A_85 : i32
      %convert_element_type3A_87 = arith.extui %eq3A_86 : i1 to i32
      %cond3A_88 = arith.constant 0 : i32
      %cond3A_89 = arith.cmpi ne, %convert_element_type3A_87, %cond3A_88 : i32
      scf.if %cond3A_89 {
        %add3A_90 = arith.constant 1 : i32
        %add3A_91 = arith.addi %arg0, %add3A_90 : i32
        %mul3A = arith.constant 1000 : i32
        %mul3A_92 = arith.muli %add3A_91, %mul3A : i32
        %dma_start3A = arith.constant 0 : i32
        %dma_start3A_93 = arith.constant 0 : i32
        %dma_start3A_94 = tpu.memref_slice %arg1[%dma_start3A, %mul3A_92, %dma_start3A_93] : memref<2x10000x128xf32, #tpu.memory_space<any>> -> memref<2x1000x128xf32, #tpu.memory_space<any>>
        tpu.enqueue_dma source(%dma_start3A_94 : memref<2x1000x128xf32, #tpu.memory_space<any>>) target(%arg4 : memref<2x1000x128xf32, #tpu.memory_space<vmem>>) target_semaphore(%arg6 : memref<!tpu.dma_semaphore, #tpu.memory_space<semaphore_mem>>)
      } else {
      }
    } else {
    }
    %jit3A = arith.constant 2 : i32
    %eq3A_7 = arith.constant 0 : i32
    %eq3A_8 = arith.cmpi eq, %jit3A, %eq3A_7 : i32
    %jit3A_9 = arith.constant 1 : i32
    %select_n3A = arith.select %eq3A_8, %jit3A_9, %jit3A : i32
    %rem3A = arith.remsi %arg0, %select_n3A : i32
    %ne3A = arith.constant 0 : i32
    %ne3A_10 = arith.cmpi ne, %rem3A, %ne3A : i32
    %lt3A_11 = arith.constant 0 : i32
    %lt3A_12 = arith.cmpi slt, %rem3A, %lt3A_11 : i32
    %lt3A_13 = arith.constant 0 : i32
    %lt3A_14 = arith.cmpi slt, %select_n3A, %lt3A_13 : i32
    %ne3A_15 = arith.xori %lt3A_12, %lt3A_14 : i1
    %and3A = arith.andi %ne3A_15, %ne3A_10 : i1
    %add3A_16 = arith.addi %rem3A, %select_n3A : i32
    %select_n3A_17 = arith.select %and3A, %add3A_16, %rem3A : i32
    %eq3A_18 = arith.constant 0 : i32
    %eq3A_19 = arith.cmpi eq, %select_n3A_17, %eq3A_18 : i32
    %convert_element_type3A_20 = arith.extui %eq3A_19 : i1 to i32
    %cond3A_21 = arith.constant 0 : i32
    %cond3A_22 = arith.cmpi ne, %convert_element_type3A_20, %cond3A_21 : i32
    scf.if %cond3A_22 {
      %dma_wait3A = arith.constant 0 : i32
      %dma_wait3A_44 = arith.constant 0 : i32
      %dma_wait3A_45 = arith.constant 0 : i32
      %dma_wait3A_46 = tpu.memref_slice %arg1[%dma_wait3A, %dma_wait3A_44, %dma_wait3A_45] : memref<2x10000x128xf32, #tpu.memory_space<any>> -> memref<2x1000x128xf32, #tpu.memory_space<any>>
      tpu.wait_dma2 semaphore(%arg5 : memref<!tpu.dma_semaphore, #tpu.memory_space<semaphore_mem>>) src(%dma_wait3A_46 : memref<2x1000x128xf32, #tpu.memory_space<any>>) dst(%arg3 : memref<2x1000x128xf32, #tpu.memory_space<vmem>>)
      %get3A = arith.constant 0 : index
      %get3A_47 = arith.constant 0 : index
      %get3A_48 = arith.constant 0 : index
      %get3A_49 = vector.load %arg3[%get3A, %get3A_47, %get3A_48] : memref<2x1000x128xf32, #tpu.memory_space<vmem>>, vector<1x1000x128xf32>
      %get3A_50 = vector.shape_cast %get3A_49 : vector<1x1000x128xf32> to vector<1000x128xf32>
      %get3A_51 = arith.constant 1 : index
      %get3A_52 = arith.constant 0 : index
      %get3A_53 = arith.constant 0 : index
      %get3A_54 = vector.load %arg3[%get3A_51, %get3A_52, %get3A_53] : memref<2x1000x128xf32, #tpu.memory_space<vmem>>, vector<1x1000x128xf32>
      %get3A_55 = vector.shape_cast %get3A_54 : vector<1x1000x128xf32> to vector<1000x128xf32>
      %add3A_56 = arith.addf %get3A_50, %get3A_55 : vector<1000x128xf32>
      %swap3A = arith.constant 0 : index
      %swap3A_57 = arith.constant 0 : index
      %swap3A_58 = vector.load %arg2[%swap3A, %swap3A_57] : memref<1000x128xf32, #tpu.memory_space<vmem>>, vector<1000x128xf32>
      tpu.vector_store %arg2[%swap3A, %swap3A_57], %add3A_56 {strides = array<i32>} : memref<1000x128xf32, #tpu.memory_space<vmem>>, vector<1000x128xf32>,
    } else {
    }
    %jit3A_23 = arith.constant 2 : i32
    %eq3A_24 = arith.constant 0 : i32
    %eq3A_25 = arith.cmpi eq, %jit3A_23, %eq3A_24 : i32
    %jit3A_26 = arith.constant 1 : i32
    %select_n3A_27 = arith.select %eq3A_25, %jit3A_26, %jit3A_23 : i32
    %rem3A_28 = arith.remsi %arg0, %select_n3A_27 : i32
    %ne3A_29 = arith.constant 0 : i32
    %ne3A_30 = arith.cmpi ne, %rem3A_28, %ne3A_29 : i32
    %lt3A_31 = arith.constant 0 : i32
    %lt3A_32 = arith.cmpi slt, %rem3A_28, %lt3A_31 : i32
    %lt3A_33 = arith.constant 0 : i32
    %lt3A_34 = arith.cmpi slt, %select_n3A_27, %lt3A_33 : i32
    %ne3A_35 = arith.xori %lt3A_32, %lt3A_34 : i1
    %and3A_36 = arith.andi %ne3A_35, %ne3A_30 : i1
    %add3A_37 = arith.addi %rem3A_28, %select_n3A_27 : i32
    %select_n3A_38 = arith.select %and3A_36, %add3A_37, %rem3A_28 : i32
    %eq3A_39 = arith.constant 1 : i32
    %eq3A_40 = arith.cmpi eq, %select_n3A_38, %eq3A_39 : i32
    %convert_element_type3A_41 = arith.extui %eq3A_40 : i1 to i32
    %cond3A_42 = arith.constant 0 : i32
    %cond3A_43 = arith.cmpi ne, %convert_element_type3A_41, %cond3A_42 : i32
    scf.if %cond3A_43 {
      %dma_wait3A = arith.constant 0 : i32
      %dma_wait3A_44 = arith.constant 0 : i32
      %dma_wait3A_45 = arith.constant 0 : i32
      %dma_wait3A_46 = tpu.memref_slice %arg1[%dma_wait3A, %dma_wait3A_44, %dma_wait3A_45] : memref<2x10000x128xf32, #tpu.memory_space<any>> -> memref<2x1000x128xf32, #tpu.memory_space<any>>
      tpu.wait_dma2 semaphore(%arg6 : memref<!tpu.dma_semaphore, #tpu.memory_space<semaphore_mem>>) src(%dma_wait3A_46 : memref<2x1000x128xf32, #tpu.memory_space<any>>) dst(%arg4 : memref<2x1000x128xf32, #tpu.memory_space<vmem>>)
      %get3A = arith.constant 0 : index
      %get3A_47 = arith.constant 0 : index
      %get3A_48 = arith.constant 0 : index
      %get3A_49 = vector.load %arg4[%get3A, %get3A_47, %get3A_48] : memref<2x1000x128xf32, #tpu.memory_space<vmem>>, vector<1x1000x128xf32>
      %get3A_50 = vector.shape_cast %get3A_49 : vector<1x1000x128xf32> to vector<1000x128xf32>
      %get3A_51 = arith.constant 1 : index
      %get3A_52 = arith.constant 0 : index
      %get3A_53 = arith.constant 0 : index
      %get3A_54 = vector.load %arg4[%get3A_51, %get3A_52, %get3A_53] : memref<2x1000x128xf32, #tpu.memory_space<vmem>>, vector<1x1000x128xf32>
      %get3A_55 = vector.shape_cast %get3A_54 : vector<1x1000x128xf32> to vector<1000x128xf32>
      %add3A_56 = arith.addf %get3A_50, %get3A_55 : vector<1000x128xf32>
      %swap3A = arith.constant 0 : index
      %swap3A_57 = arith.constant 0 : index
      %swap3A_58 = vector.load %arg2[%swap3A, %swap3A_57] : memref<1000x128xf32, #tpu.memory_space<vmem>>, vector<1000x128xf32>
      tpu.vector_store %arg2[%swap3A, %swap3A_57], %add3A_56 {strides = array<i32>} : memref<1000x128xf32, #tpu.memory_space<vmem>>, vector<1000x128xf32>,
    } else {
    }
    return
  }
  func.func @transform_1(%arg0: i32) -> (i32, i32) {
    %c0_i32 = arith.constant 0 : i32
    %c0_i32_0 = arith.constant 0 : i32
    return %arg0, %c0_i32 : i32, i32
  }
}

</mosaic_0001>

<sc_bundles>
// kernel: kernel.4.cloned.1.call-start
scs
__scs_entry_jumppad:
0x0: {  	(pc) =	sbr.rel $0x88, $3  }
0x1: {  	(tag) =	ssettag $0x0;
	lr =	simm.s32 $0x1  }
0x2: {  	[smem:$0x3F9F] =	sst lr;
	_ =	strace $0xD0000000  }
0x3: {  	_ = 	snop  }
0x4: {  	_ = 	snop  }
0x5: {  	_ = 	snop  }
0x6: {  	_ = 	snop  }
0x7: {  	_ = 	snop  }
__scs_overlays_trampoline_lowered:
0x8: {  	[smem:$0x3FAE] =	sst s0  }
0x9: {  	[smem:$0x3FAF] =	sst s1  }
0xa: {  	[smem:$0x3FB0] =	sst s2  }
0xb: {  	[smem:$0x3FB1] =	sst s3  }
0xc: {  	[smem:$0x3FB2] =	sst s4  }
0xd: {  	[smem:$0x3FB3] =	sst s5  }
0xe: {  	[smem:$0x3FB4] =	sst s6  }
0xf: {  	[smem:$0x3FB5] =	sst s7  }
0x10: {  	[smem:$0x3FB6] =	sst s8  }
0x11: {  	[smem:$0x3FB7] =	sst s9;
	s0 =	simm.s32 @!p0 $0x0  }
0x12: {  	s1 =	sld [smem:$0x3F9D];
	s0 =	simm.s32 @p0 $0x1  }
0x13: {  	[smem:$0x3FB8] =	sst s0;
	s0 =	simm.s32 @!p1 $0x0  }
0x14: {  	s2 =	sld [smem:$0x3F9C];
	s0 =	simm.s32 @p1 $0x1  }
0x15: {  	[smem:$0x3FB9] =	sst s0;
	s0 =	simm.s32 @!p2 $0x0  }
0x16: {  	s3 =	sld [smem:$0x3FDB];
	s0 =	simm.s32 @p2 $0x1  }
0x17: {  	s4 =	simm.s32 $0x1BF5;
	[smem:$0x3FBB] =	sst s0  }
0x18: {  	s0 =	sld [smem:$0x3F9E];
	_ =	swait.ge [sflag:s4], $0x0  }
0x19: {  	s7 =	sld [smem:$0x3F9F]  }
0x1a: {  	s8 =	sadd.s32 $0xFFFFE003, lr  }
0x1b: {  	s9 =	sadd.s32 $0xFFFFFEF7, lr;
	s5 =	simm.s32 $0xFFFFFFFF;
	p2 =	slt.u32 s8, $0xFFFFF086  }
0x1c: {  	p1 =	slt.u32 s9, $0xF7A;
	s5 =	simm.s32 @!p2 $0x0  }
0x1d: {  	s5 =	simm.s32 @p1 $0x1;
	p0 =	seq.s32 s7, s2  }
0x1e: {  	s7 =	smul.u32 @!p0 $0xF7A, s2;
	p2 =	seq.s32 @!p0 s5, $0x0  }
0x1f: {  	s9 =	smul.u32 $0xF7A, s1;
	s8 =	simm.s32 @!p0 $0x1BF5;
	p2 =	por !p2, p0  }
0x20: {  	[sflag:s8] =	ssyncset.s32 @!p0 $0xFFFFF086;
	s6 =	sadd.s32 @!p0 s3, s7;
	s7 =	simm.s32 @!p0 $0x108  }
0x21: {  	s3 =	sadd.s32 s3, s9;
	s6 =	sadd.s32 @!p0 $0x88, s6;
	s7 =	simm.s32 @p2 $0x1082  }
0x22: {  	[simem:s7], [sflag:s8] =	dma.local @!p0 [hbm:s6], $0xF7A  }
0x23: {  	s9 =	sor.u32 $0xD0000000, s2;
	s6 =	simm.s32 $0x108;
	_ =	swait.ge @!p0 [sflag:s8], $0x0  }
0x24: {  	s3 =	sadd.s32 $0x88, s3;
	s6 =	simm.s32 @!p1 $0x1082;
	[sflag:s4] =	ssyncset.s32 $0xFFFFF086  }
0x25: {  	[simem:s6], [sflag:s4] =	dma.local [hbm:s3], $0xF7A  }
0x26: {  	[smem:$0x3F9F] =	sst s1;
	(tag) =	ssettag s2;
	_ =	strace s9  }
0x27: {  	s1 =	sld [smem:$0x3FAF]  }
0x28: {  	s2 =	sld [smem:$0x3FB0]  }
0x29: {  	s4 =	sld [smem:$0x3FB2]  }
0x2a: {  	p0 =	seq.s32 s5, $0x0;
	s5 =	sld [smem:$0x3FB3]  }
0x2b: {  	s6 =	sld [smem:$0x3FB4]  }
0x2c: {  	s7 =	sld [smem:$0x3FB5]  }
0x2d: {  	s3 =	simm.s32 $0x108;
	s8 =	sld [smem:$0x3FB6]  }
0x2e: {  	s3 =	simm.s32 @!p0 $0x1082;
	s9 =	sld [smem:$0x3FB7]  }
0x2f: {  	lr =	sadd.s32 s0, s3;
	s0 =	sld [smem:$0x3FAE]  }
0x30: {  	s3 =	sld [smem:$0x3FB1]  }
0x31: {  	[smem:$0x3FBA] =	sst s10  }
0x32: {  	s10 =	sld [smem:$0x3FB8];
	_ =	sdelay $0x3  }
0x33: {  	p0 =	seq.s32 s10, $0x1;
	s10 =	sld [smem:$0x3FBA];
	_ =	sdelay $0x3  }
0x34: {  	[smem:$0x3FBA] =	sst s10  }
0x35: {  	s10 =	sld [smem:$0x3FB9];
	_ =	sdelay $0x3  }
0x36: {  	p1 =	seq.s32 s10, $0x1;
	s10 =	sld [smem:$0x3FBA];
	_ =	sdelay $0x3  }
0x37: {  	[smem:$0x3FBA] =	sst s10  }
0x38: {  	s10 =	sld [smem:$0x3FBB]  }
0x39: {  	_ = 	snop;
	(pc) =	sbr.ind lr, $3  }
0x3a: {  	_ = 	snop  }
0x3b: {  	_ = 	snop  }
0x3c: {  	p2 =	seq.s32 s10, $0x1;
	s10 =	sld [smem:$0x3FBA]  }
0x3d: {  	_ =	shalt  }
0x3e: {  	_ =	shalt  }
0x3f: {  	_ =	shalt  }
0x40: {  	_ =	shalt  }
0x41: {  	_ =	shalt  }
0x42: {  	_ =	shalt  }
0x43: {  	_ =	shalt  }
0x44: {  	_ =	shalt  }
0x45: {  	_ =	shalt  }
0x46: {  	_ =	shalt  }
0x47: {  	_ =	shalt  }
0x48: {  	_ =	shalt  }
0x49: {  	_ =	shalt  }
0x4a: {  	_ =	shalt  }
0x4b: {  	_ =	shalt  }
0x4c: {  	_ =	shalt  }
0x4d: {  	_ =	shalt  }
0x4e: {  	_ =	shalt  }
0x4f: {  	_ =	shalt  }
0x50: {  	_ =	shalt  }
0x51: {  	_ =	shalt  }
0x52: {  	_ =	shalt  }
0x53: {  	_ =	shalt  }
0x54: {  	_ =	shalt  }
0x55: {  	_ =	shalt  }
0x56: {  	_ =	shalt  }
0x57: {  	_ =	shalt  }
0x58: {  	_ =	shalt  }
0x59: {  	_ =	shalt  }
0x5a: {  	_ =	shalt  }
0x5b: {  	_ =	shalt  }
0x5c: {  	_ =	shalt  }
0x5d: {  	_ =	shalt  }
0x5e: {  	_ =	shalt  }
0x5f: {  	_ =	shalt  }
0x60: {  	_ =	shalt  }
0x61: {  	_ =	shalt  }
0x62: {  	_ =	shalt  }
0x63: {  	_ =	shalt  }
0x64: {  	_ =	shalt  }
0x65: {  	_ =	shalt  }
0x66: {  	_ =	shalt  }
0x67: {  	_ =	shalt  }
0x68: {  	_ =	shalt  }
0x69: {  	_ =	shalt  }
0x6a: {  	_ =	shalt  }
0x6b: {  	_ =	shalt  }
0x6c: {  	_ =	shalt  }
0x6d: {  	_ =	shalt  }
0x6e: {  	_ =	shalt  }
0x6f: {  	_ =	shalt  }
0x70: {  	_ =	shalt  }
0x71: {  	_ =	shalt  }
0x72: {  	_ =	shalt  }
0x73: {  	_ =	shalt  }
0x74: {  	_ =	shalt  }
0x75: {  	_ =	shalt  }
0x76: {  	_ =	shalt  }
0x77: {  	_ =	shalt  }
0x78: {  	_ =	shalt  }
0x79: {  	_ =	shalt  }
0x7a: {  	_ =	shalt  }
0x7b: {  	_ =	shalt  }
0x7c: {  	_ =	shalt  }
0x7d: {  	_ =	shalt  }
0x7e: {  	_ =	shalt  }
0x7f: {  	_ =	shalt  }
0x80: {  	_ =	shalt  }
0x81: {  	_ =	shalt  }
0x82: {  	_ =	shalt  }
0x83: {  	_ =	shalt  }
0x84: {  	_ =	shalt  }
0x85: {  	_ =	shalt  }
0x86: {  	_ =	shalt  }
0x87: {  	_ =	shalt  }
.Lfunc_end0:
.L_simem_size_0:
called_computation_lowered:
.L_overlay_start_0:
0x88: {  	s2 =	sld [smem:$0x3FD9]  }
0x89: {  	s3 =	sld [smem:$0x3FFE];
	_ =	sdelay $0x1  }
0x8a: {  	s1 =	srdreg.scid  }
0x8b: {  	s0 =	sand.u32 $0x1, s1  }
0x8c: {  	s17 =	sshll.u32 s0, $0xA;
	s2 =	sadd.s32 s3, s2  }
0x8d: {  	s2 =	sadd.s32 s2, s17  }
0x8e: {  	[smem:$0x3FC6] =	sst s2  }
0x8f: {  	_ = 	snop  }
0x90: {  	s2 =	sld [smem:$0x3FC9]  }
0x91: {  	s18 =	sld [smem:$0x3FD0];
	(tm) =	ssettm $0x1  }
0x92: {  	s4 =	sld [smem:$0x3FFB];
	_ =	sdelay $0x3  }
0x93: {  	_ =	strace s4  }
0x94: {  	s4 =	sld [smem:$0x3FFC];
	_ =	sdelay $0x3  }
0x95: {  	_ =	strace s4  }
0x96: {  	s4 =	sld [smem:$0x3FFD];
	_ =	sdelay $0x3  }
0x97: {  	_ =	strace s4  }
0x98: {  	_ =	strace $0x8FFFFFFF  }
0x99: {  	s19 =	sld [smem:$0x3FDB];
	_ =	sdelay $0x1  }
0x9a: {  	s5 =	simm.s32 $_scs_section_size  }
0x9b: {  	s6 =	simm.s32 $_size__tile_overlayer_lowered;
	s7 =	simm.s32 $_tile_overlayer_lowered  }
0x9c: {  	s22 =	simm.s32 $0x1BFF;
	s21 =	sshll.u32 s7, $0x1;
	s4 =	sadd.s32 s5, s19  }
0x9d: {  	s8 =	simm.s32 $0x0;
	s20 =	sshll.u32 s6, $0x1;
	s6 =	sadd.s32 s21, s4  }
0x9e: {  	[timem:s8], [sflag:s22] =	dma.local [hbm:s6], s20  }
0x9f: {  	_ =	swait.ge [sflag:s22], s20  }
0xa0: {  	s5 =	ssub.s32 $0x0, s20;
	[sflag:s22] =	ssyncset.done $0x0  }
0xa1: {  	[sflag:s22] =	ssyncadd.s32 s5;
	_ =	sdelay $0x1  }
0xa2: {  	s23 =	simm.s32 $0x1B8B  }
0xa3: {  	_ =	swait.ge [sflag:s23], $0x1  }
0xa4: {  	[sflag:s23] =	ssyncset.done $0x0  }
0xa5: {  	s25 =	simm.s32 $0x1B8E;
	s24 =	sld [smem:$0x3FFE];
	[sflag:s23] =	ssyncadd.s32 $0xFFFFFFFF  }
0xa6: {  	s26 =	simm.s32 $execute0_lowered;
	[smem:$0x3FD2] =	sst s25  }
0xa7: {  	s6 =	sshll.u32 s26, $0x1;
	_ =	strace $0x80000046;
	[dreg:$0x1] =	wrdreg $0xFFFFFFFF  }
0xa8: {  	s28 =	simm.s32 $_size_execute0_lowered;
	s4 =	sadd.s32 s4, s6;
	[dreg:$0x0] =	wrdreg $0x0  }
0xa9: {  	s6 =	sshll.u32 s28, $0x1;
	[dreg:$0x2] =	wrdreg s4  }
0xaa: {  	[dreg:$0x3] =	wrdreg s6  }
0xab: {  	[dreg:$0x4] =	wrdreg $0xC0  }
0xac: {  	_ =	task [dreg:s8], $0x5FFFF  }
0xad: {  	[dreg:$0x1] =	wrdreg $0xFFFFFFFF  }
0xae: {  	[dreg:$0x0] =	wrdreg $0x60  }
0xaf: {  	[dreg:$0x2] =	wrdreg s2  }
0xb0: {  	[dreg:$0x3] =	wrdreg s18  }
0xb1: {  	[dreg:$0x4] =	wrdreg s24  }
0xb2: {  	[dreg:$0x5] =	wrdreg $0xB8000  }
0xb3: {  	[dreg:$0x6] =	wrdreg $0x9  }
0xb4: {  	_ =	task.clear_ibuf [dreg:s8], $0x7FFFF;
	_ =	strace $0x90000046  }
0xb5: {  	s29 =	simm.s32 $0x9;
	_ =	strace $0x80000048  }
0xb6: {  	_ =	swait.ge [sflag:s29], $0x1  }
0xb7: {  	[sflag:s29] =	ssyncadd.s32 $0xFFFFFFFF  }
0xb8: {  	_ =	strace $0x90000048  }
0xb9: {  	_ =	sfence  }
0xba: {  	s30 =	sld [smem:$0x0];
	_ =	sdelay $0x2  }
0xbb: {  	s31 =	sshll.u32 s1, $0xD;
	s1 =	sshrl.u32 s1, $0x2  }
0xbc: {  	s3 =	sand.u32 $0x4000, s31;
	s1 =	sadd.s32 s1, s30  }
0xbd: {  	s0 =	sor.u32 s3, s0;
	s1 =	sshll.u32 s1, $0x11  }
0xbe: {  	s0 =	sor.u32 s1, s0  }
0xbf: {  	s0 =	sadd.s32 $0x8F2B, s0  }
0xc0: {  	[sflag:s0] =	ssyncadd.remote.s32 $0x1  }
0xc1: {  	_ =	sfence.sel $0xFFFF  }
0xc2: {  	[dreg:$0x0] =	wrdreg $0xFFFFFFFF;
	(pc) =	sbr.abs _section_cstart, $3  }
0xc3: {  	[dreg:$0x1] =	wrdreg $0xFFFFFFFF  }
0xc4: {  	_ =	task.clear_ibuf [dreg:s8], $0x2FFFF;
	_ =	strace $0x9FFFFFFF  }
0xc5: {  	(tm) =	ssettm $0x7FFFFFFF  }
tec
execute0_lowered:
.L_overlay_start_1:
0x0: {  	(tag) =	ssettag $0x1  }
0x1: {  	s0 =	rddreg [dreg:$0x0]  }
0x2: {  	s1 =	rddreg [dreg:$0x1]  }
0x3: {  	s4 =	rddreg [dreg:$0x2]  }
0x4: {  	s3 =	srdreg.scid;
	s12 =	stileid.u32  }
0x5: {  	s2 =	rddreg [dreg:$0x3];
	s29 =	simm.s32 $0x6800;
	s30 =	simm.s32 $0x7C00  }
0x6: {  	s31 =	simm.s32 $0x9000;
	s5 =	sand.u32 $0x1, s3;
	s6 =	sshll.u32 s12, $0x1  }
0x7: {  	s3 =	simm.s32 $0x0;
	s4 =	sadd.s32 $0x600, s4;
	s11 =	smul.u32 $0x4E000, s12  }
0x8: {  	s15 =	smul.u32 $0x13800, s12;
	s20 =	sadd.s32 $0x280, s0;
	p0 =	sne.s32 s12, $0x0  }
0x9: {  	s28 =	sadd.s32 $0x138000, s2;
	s6 =	sor.u32 s5, s6;
	[smem:$0x7FF] =	sst s3  }
0xa: {  	s8 =	ssub.s32 $0x2, s5;
	s13 =	smul.u32 $0x138800, s5;
	s10 =	sshll.u32 s6, $0xB  }
0xb: {  	s9 =	sshrl.u32 s8, $0x1;
	s26 =	sshrl.u32 s11, $0x2;
	s1 =	sadd.s32 s10, s1  }
0xc: {  	s9 =	ssub.s32 s8, s9;
	s8 =	sadd.s32 s26, s2;
	s1 =	sadd.s32 $0x10000, s1  }
0xd: {  	_ =	strace $0x80000047;
	s14 =	sadd.s32 $0x2800, s8;
	[dreg:$0x5] =	wrdreg s1  }
0xe: {  	s7 =	smul.u32 $0x138800, s6;
	s16 =	sadd.s32 $0x5000, s8;
	[dreg:$0xa] =	wrdreg s14  }
0xf: {  	s6 =	smul.u32 $0x27100, s6;
	s17 =	sadd.s32 $0x7800, s8;
	[dreg:$0xb] =	wrdreg s16  }
0x10: {  	s26 =	smul.u32 $0x27100, s5;
	s18 =	sadd.s32 $0xA000, s8;
	[dreg:$0xc] =	wrdreg s17  }
0x11: {  	s7 =	sshrl.u32 s7, $0x3;
	s19 =	sadd.s32 s0, s6;
	[dreg:$0xd] =	wrdreg s18  }
0x12: {  	s23 =	sadd.s32 s0, s7;
	[dreg:$0xe] =	wrdreg s19;
	s7 =	sadd.s32 s7, s20  }
0x13: {  	s5 =	simm.s32 $0x5400;
	s24 =	sadd.s32 $0x500, s23;
	[dreg:$0xf] =	wrdreg s7  }
0x14: {  	s22 =	sadd.s32 $0xF00, s6;
	s25 =	sadd.s32 $0x780, s23;
	[dreg:$0x6] =	wrdreg s24  }
0x15: {  	s6 =	sadd.s32 $0x1400, s6;
	s11 =	sadd.s32 $0xA00, s23;
	[dreg:$0x7] =	wrdreg s25  }
0x16: {  	s1 =	sshrl.u32 s13, $0x3;
	s10 =	sadd.s32 $0xC80, s23;
	[dreg:$0x8] =	wrdreg s11  }
0x17: {  	s14 =	simm.s32 $0x6;
	s23 =	sadd.s32 s0, s22;
	[dreg:$0x9] =	wrdreg s10  }
0x18: {  	s1 =	sadd.s32 s4, s1;
	s10 =	sadd.s32 s15, s13;
	[dreg:$0x11] =	wrdreg s23  }
0x19: {  	s24 =	smul.u32 $0x4E200, s12;
	s25 =	sadd.s32 s6, s20;
	s23 =	sadd.s32 $0xF000, s8  }
0x1a: {  	s11 =	simm.s32 $0x4;
	s12 =	simm.s32 $0x3;
	s13 =	simm.s32 $0x5  }
0x1b: {  	s15 =	simm.s32 $0x0;
	s21 =	sshrl.u32 s10, $0x3;
	[dreg:$0x13] =	wrdreg s25  }
0x1c: {  	s25 =	smax.u32 s9, $0x1;
	s9 =	simm.s32 $0x50;
	s10 =	simm.s32 $0x2  }
0x1d: {  	s7 =	sadd.s32 s4, s21;
	s4 =	sadd.s32 s22, s20;
	s20 =	sadd.s32 s0, s6  }
0x1e: {  	s0 =	sadd.s32 s24, s0;
	s21 =	sadd.s32 $0xC800, s8;
	s24 =	sadd.s32 $0x27000, s1  }
0x1f: {  	s1 =	simm.s32 $0x4000;
	s6 =	simm.s32 $0x7;
	[dreg:$0x10] =	wrdreg s7  }
0x20: {  	[dreg:$0x12] =	wrdreg s4;
	s22 =	sadd.s32 s26, s0;
	s26 =	sadd.s32 $0x11800, s8  }
0x21: {  	v0 =	vimm.f32 $0.0e+00;
	s0 =	simm.s32 $0xA400;
	s4 =	simm.s32 $0x8;
	s7 =	simm.s32 $0x1  }
.LBB2_1:
0x22: {  	s16 =	rddreg [dreg:$0x5]  }
0x23: {  	[tilespmem:s3], [sflag:$0x7] =	stream.linear.gather [hbm4b:s16+s3], $0x3E80, $0x38;
	[tilespmem:$0x1F080] =	vst v63  }
0x24: {  	s19 =	rddreg [dreg:$0x6]  }
0x25: {  	[tilespmem:s29], [sflag:$0x2] =	stream.linear.gather [hbm4b:s19+s3], $0x1400, $0x38;
	[tilespmem:$0x1F080] =	vst v63  }
0x26: {  	s17 =	rddreg [dreg:$0x7]  }
0x27: {  	[tilespmem:s30], [sflag:$0x2] =	stream.linear.gather [hbm4b:s17+s3], $0x1400, $0x38;
	[tilespmem:$0x1F080] =	vst v63  }
0x28: {  	s18 =	rddreg [dreg:$0x8]  }
0x29: {  	[tilespmem:s31], [sflag:$0x3] =	stream.linear.gather [hbm4b:s18+s3], $0x1400, $0x38;
	[tilespmem:$0x1F080] =	vst v63  }
0x2a: {  	s16 =	simm.s32 $0x0;
	s19 =	rddreg [dreg:$0x9];
	s17 =	simm.s32 $0x200  }
0x2b: {  	[tilespmem:s0], [sflag:$0x3] =	stream.linear.gather [hbm4b:s19+s3], $0x1400, $0x38;
	[tilespmem:$0x1F080] =	vst v63  }
.LBB2_2:
0x2c: {  	p1 =	sne.s32 s17, $0x9E00;
	[tilespmem:s16+$0x4070] =	vst v0  }
0x2d: {  	[tilespmem:s16+$0x4000] =	vst v0  }
0x2e: {  	[tilespmem:s16+$0x4010] =	vst v0  }
.Ltmp0:
0x2f: {  	[tilespmem:s16+$0x4020] =	vst v0;
	(pc) =	sbr.rel @p1 .LBB2_2-.Ltmp0, $4  }
0x30: {  	[tilespmem:s16+$0x4030] =	vst v0  }
0x31: {  	[tilespmem:s16+$0x4040] =	vst v0  }
0x32: {  	[tilespmem:s16+$0x4050] =	vst v0  }
0x33: {  	[tilespmem:s16+$0x4060] =	vst v0;
	s16 =	sshra.s32 s17, $0x2;
	s17 =	sadd.s32 $0x200, s17  }
0x34: {  	[tilespmem:s16+$0x4070] =	vst v0  }
0x35: {  	[tilespmem:s16+$0x4000] =	vst v0  }
0x36: {  	[tilespmem:s16+$0x4010] =	vst v0  }
0x37: {  	[tilespmem:s16+$0x4020] =	vst v0  }
0x38: {  	[tilespmem:s16+$0x4030] =	vst v0  }
0x39: {  	[tilespmem:s16+$0x4040] =	vst v0  }
0x3a: {  	[tilespmem:s16+$0x4050] =	vst v0  }
0x3b: {  	[tilespmem:s16+$0x4060] =	vst v0  }
0x3c: {  	[spmem:s8] =	stream.linear.scatter [tilespmem:s1], [sflag:$0x8], $0x2800, $0x38;
	[tilespmem:$0x1F080] =	vst v63  }
0x3d: {  	_ =	swait.ge [sflag:s4], $0x2800  }
0x3e: {  	[sflag:s4] =	ssyncset.done $0x0  }
0x3f: {  	s17 =	rddreg [dreg:$0xa];
	[sflag:s4] =	ssyncadd.s32 $0xFFFFD800  }
0x40: {  	[spmem:s17] =	stream.linear.scatter [tilespmem:s1], [sflag:$0x8], $0x2800, $0x38;
	[tilespmem:$0x1F080] =	vst v63  }
0x41: {  	_ =	swait.ge [sflag:s4], $0x2800  }
0x42: {  	[sflag:s4] =	ssyncset.done $0x0  }
0x43: {  	s18 =	rddreg [dreg:$0xb];
	[sflag:s4] =	ssyncadd.s32 $0xFFFFD800  }
0x44: {  	[spmem:s18] =	stream.linear.scatter [tilespmem:s1], [sflag:$0x8], $0x2800, $0x38;
	[tilespmem:$0x1F080] =	vst v63  }
0x45: {  	_ =	swait.ge [sflag:s4], $0x2800  }
0x46: {  	[sflag:s4] =	ssyncset.done $0x0  }
0x47: {  	s19 =	rddreg [dreg:$0xc];
	[sflag:s4] =	ssyncadd.s32 $0xFFFFD800  }
0x48: {  	[spmem:s19] =	stream.linear.scatter [tilespmem:s1], [sflag:$0x8], $0x2800, $0x38;
	[tilespmem:$0x1F080] =	vst v63  }
0x49: {  	_ =	swait.ge [sflag:s4], $0x2800  }
0x4a: {  	[sflag:s4] =	ssyncset.done $0x0  }
0x4b: {  	s17 =	rddreg [dreg:$0xd];
	[sflag:s4] =	ssyncadd.s32 $0xFFFFD800  }
0x4c: {  	[spmem:s17] =	stream.linear.scatter [tilespmem:s1], [sflag:$0x8], $0x2800, $0x38;
	[tilespmem:$0x1F080] =	vst v63  }
0x4d: {  	_ =	swait.ge [sflag:s4], $0x2800  }
0x4e: {  	[sflag:s4] =	ssyncset.done $0x0  }
0x4f: {  	[sflag:s4] =	ssyncadd.s32 $0xFFFFD800  }
0x50: {  	[spmem:s21] =	stream.linear.scatter [tilespmem:s1], [sflag:$0x8], $0x2800, $0x38;
	[tilespmem:$0x1F080] =	vst v63  }
0x51: {  	_ =	swait.ge [sflag:s4], $0x2800  }
0x52: {  	[sflag:s4] =	ssyncset.done $0x0  }
0x53: {  	[sflag:s4] =	ssyncadd.s32 $0xFFFFD800  }
0x54: {  	[spmem:s23] =	stream.linear.scatter [tilespmem:s1], [sflag:$0x8], $0x2800, $0x38;
	[tilespmem:$0x1F080] =	vst v63  }
0x55: {  	_ =	swait.ge [sflag:s4], $0x2800  }
0x56: {  	[sflag:s4] =	ssyncset.done $0x0  }
0x57: {  	[sflag:s4] =	ssyncadd.s32 $0xFFFFD800  }
0x58: {  	[spmem:s26] =	stream.linear.scatter [tilespmem:s1], [sflag:$0x8], $0x2000, $0x38;
	[tilespmem:$0x1F080] =	vst v63  }
0x59: {  	_ =	swait.ge [sflag:s4], $0x2000  }
0x5a: {  	[sflag:s4] =	ssyncset.done $0x0  }
0x5b: {  	s16 =	simm.s32 @!p0 $0x4000;
	[sflag:s4] =	ssyncadd.s32 $0xFFFFE000  }
0x5c: {  	[spmem:s28] =	stream.linear.scatter @!p0 [tilespmem:s16], [sflag:$0x8], $0x800, $0x38;
	[tilespmem:$0x1F080] =	vst v63  }
0x5d: {  	s16 =	simm.s32 @!p0 $0x8  }
0x5e: {  	_ =	swait.ge @!p0 [sflag:s16], $0x800  }
0x5f: {  	[sflag:s16] =	ssyncset.done @!p0 $0x0  }
0x60: {  	s17 =	rddreg [dreg:$0xe];
	[sflag:s16] =	ssyncadd.s32 @!p0 $0xFFFFF800;
	s16 =	simm.s32 $0x0  }
0x61: {  	[tilespmem:s1], [sflag:$0x1] =	stream.linear.gather [hbm4b:s17+s16], $0x1400, $0x38;
	[tilespmem:$0x1F080] =	vst v63  }
0x62: {  	s18 =	rddreg [dreg:$0xf]  }
0x63: {  	[tilespmem:s5], [sflag:$0x1] =	stream.linear.gather [hbm4b:s18+s16], $0x1400, $0x38;
	[tilespmem:$0x1F080] =	vst v63  }
0x64: {  	_ =	swait.ge [sflag:s6], $0x3E80  }
0x65: {  	[sflag:s6] =	ssyncset.done $0x0  }
0x66: {  	[sflag:s6] =	ssyncadd.s32 $0xFFFFC180  }
0x67: {  	[bflag:$0x0] =	sbarrier.arrive $0xFFFF  }
0x68: {  	_ =	swait.ge [sflag:s7], $0x1400  }
0x69: {  	[sflag:s7] =	ssyncset.done $0x0  }
0x6a: {  	[sflag:s7] =	ssyncadd.s32 $0xFFFFEC00  }
0x6b: {  	_ =	swait.ge [sflag:s7], $0x1400  }
0x6c: {  	[sflag:s7] =	ssyncset.done $0x0  }
0x6d: {  	[sflag:s7] =	ssyncadd.s32 $0xFFFFEC00  }
0x6e: {  	[spmem:s2] =	stream.indirect.scatter.add.f32 [tilespmem:s1], [sflag:$0x4], $0x80, s16, s9, $0xb8;
	[tilespmem:$0x1F080] =	vst v63  }
0x6f: {  	_ =	swait.ge [sflag:s10], $0x1400  }
0x70: {  	[sflag:s10] =	ssyncset.done $0x0  }
0x71: {  	[sflag:s10] =	ssyncadd.s32 $0xFFFFEC00  }
0x72: {  	_ =	swait.ge [sflag:s10], $0x1400  }
0x73: {  	[sflag:s10] =	ssyncset.done $0x0  }
0x74: {  	s19 =	simm.s32 $0x80;
	[sflag:s10] =	ssyncadd.s32 $0xFFFFEC00  }
0x75: {  	[spmem:s2] =	stream.indirect.scatter.add.f32 [tilespmem:s29], [sflag:$0x5], $0x80, s19, s9, $0xb8;
	[tilespmem:$0x1F080] =	vst v63  }
0x76: {  	_ =	swait.ge [sflag:s11], $0x2800  }
0x77: {  	[sflag:s11] =	ssyncset.done $0x0  }
0x78: {  	s18 =	rddreg [dreg:$0x11];
	[sflag:s11] =	ssyncadd.s32 $0xFFFFD800  }
0x79: {  	[tilespmem:s1], [sflag:$0x1] =	stream.linear.gather [hbm4b:s18+s16], $0x1400, $0x38;
	[tilespmem:$0x1F080] =	vst v63  }
0x7a: {  	s19 =	rddreg [dreg:$0x12]  }
0x7b: {  	[tilespmem:s5], [sflag:$0x1] =	stream.linear.gather [hbm4b:s19+s16], $0x1400, $0x38;
	[tilespmem:$0x1F080] =	vst v63  }
0x7c: {  	_ =	swait.ge [sflag:s12], $0x1400  }
0x7d: {  	[sflag:s12] =	ssyncset.done $0x0  }
0x7e: {  	[sflag:s12] =	ssyncadd.s32 $0xFFFFEC00  }
0x7f: {  	_ =	swait.ge [sflag:s12], $0x1400  }
0x80: {  	[sflag:s12] =	ssyncset.done $0x0  }
0x81: {  	s18 =	simm.s32 $0x100;
	[sflag:s12] =	ssyncadd.s32 $0xFFFFEC00  }
0x82: {  	[spmem:s2] =	stream.indirect.scatter.add.f32 [tilespmem:s31], [sflag:$0x6], $0x80, s18, s9, $0xb8;
	[tilespmem:$0x1F080] =	vst v63  }
0x83: {  	_ =	swait.ge [sflag:s13], $0x2800  }
0x84: {  	[sflag:s13] =	ssyncset.done $0x0  }
0x85: {  	[sflag:s13] =	ssyncadd.s32 $0xFFFFD800  }
0x86: {  	[tilespmem:s29], [sflag:$0x2] =	stream.linear.gather [hbm4b:s20+s16], $0x1400, $0x38;
	[tilespmem:$0x1F080] =	vst v63  }
0x87: {  	s19 =	rddreg [dreg:$0x13]  }
0x88: {  	[tilespmem:s30], [sflag:$0x2] =	stream.linear.gather [hbm4b:s19+s16], $0x1400, $0x38;
	[tilespmem:$0x1F080] =	vst v63  }
0x89: {  	_ =	swait.ge [sflag:s7], $0x1400  }
0x8a: {  	[sflag:s7] =	ssyncset.done $0x0  }
0x8b: {  	[sflag:s7] =	ssyncadd.s32 $0xFFFFEC00  }
0x8c: {  	_ =	swait.ge [sflag:s7], $0x1400  }
0x8d: {  	[sflag:s7] =	ssyncset.done $0x0  }
0x8e: {  	s18 =	simm.s32 $0x180;
	[sflag:s7] =	ssyncadd.s32 $0xFFFFEC00  }
0x8f: {  	[spmem:s2] =	stream.indirect.scatter.add.f32 [tilespmem:s1], [sflag:$0x4], $0x80, s18, s9, $0xb8;
	[tilespmem:$0x1F080] =	vst v63  }
0x90: {  	_ =	swait.ge [sflag:s14], $0x2800  }
0x91: {  	s17 =	sadd.s32 $0x0, s22;
	[sflag:s14] =	ssyncset.done $0x0  }
0x92: {  	s19 =	sadd.s32 $0x1900, s17;
	[sflag:s14] =	ssyncadd.s32 $0xFFFFD800  }
0x93: {  	[tilespmem:s31], [sflag:$0x3] =	stream.linear.gather [hbm4b:s19+s3], $0x1400, $0x38;
	[tilespmem:$0x1F080] =	vst v63  }
0x94: {  	s18 =	sadd.s32 $0x1B80, s17  }
0x95: {  	[tilespmem:s0], [sflag:$0x3] =	stream.linear.gather [hbm4b:s18+s3], $0x1400, $0x38;
	[tilespmem:$0x1F080] =	vst v63  }
0x96: {  	_ =	swait.ge [sflag:s10], $0x1400  }
0x97: {  	[sflag:s10] =	ssyncset.done $0x0  }
0x98: {  	[sflag:s10] =	ssyncadd.s32 $0xFFFFEC00  }
0x99: {  	_ =	swait.ge [sflag:s10], $0x1400  }
0x9a: {  	[sflag:s10] =	ssyncset.done $0x0  }
0x9b: {  	s19 =	simm.s32 $0x200;
	[sflag:s10] =	ssyncadd.s32 $0xFFFFEC00  }
0x9c: {  	[spmem:s2] =	stream.indirect.scatter.add.f32 [tilespmem:s29], [sflag:$0x5], $0x80, s19, s9, $0xb8;
	[tilespmem:$0x1F080] =	vst v63  }
0x9d: {  	_ =	swait.ge [sflag:s11], $0x2800  }
0x9e: {  	[sflag:s11] =	ssyncset.done $0x0  }
0x9f: {  	s18 =	sadd.s32 $0x1E00, s17;
	[sflag:s11] =	ssyncadd.s32 $0xFFFFD800  }
0xa0: {  	[tilespmem:s1], [sflag:$0x1] =	stream.linear.gather [hbm4b:s18+s3], $0x1400, $0x38;
	[tilespmem:$0x1F080] =	vst v63  }
0xa1: {  	s19 =	sadd.s32 $0x2080, s17  }
0xa2: {  	[tilespmem:s5], [sflag:$0x1] =	stream.linear.gather [hbm4b:s19+s3], $0x1400, $0x38;
	[tilespmem:$0x1F080] =	vst v63  }
0xa3: {  	_ =	swait.ge [sflag:s12], $0x1400  }
0xa4: {  	[sflag:s12] =	ssyncset.done $0x0  }
0xa5: {  	[sflag:s12] =	ssyncadd.s32 $0xFFFFEC00  }
0xa6: {  	_ =	swait.ge [sflag:s12], $0x1400  }
0xa7: {  	[sflag:s12] =	ssyncset.done $0x0  }
0xa8: {  	s18 =	simm.s32 $0x280;
	[sflag:s12] =	ssyncadd.s32 $0xFFFFEC00  }
0xa9: {  	[spmem:s2] =	stream.indirect.scatter.add.f32 [tilespmem:s31], [sflag:$0x6], $0x80, s18, s9, $0xb8;
	[tilespmem:$0x1F080] =	vst v63  }
0xaa: {  	_ =	swait.ge [sflag:s13], $0x2800  }
0xab: {  	s16 =	simm.s32 $0xF00;
	s19 =	sadd.s32 $0x2300, s17;
	[sflag:s13] =	ssyncset.done $0x0  }
0xac: {  	s18 =	sadd.s32 $0x2580, s17;
	s17 =	simm.s32 $0x400;
	[sflag:s13] =	ssyncadd.s32 $0xFFFFD800  }
0xad: {  	[tilespmem:s29], [sflag:$0x2] =	stream.linear.gather [hbm4b:s19+s3], $0x1400, $0x38;
	[tilespmem:$0x1F080] =	vst v63  }
.LBB2_4:
0xae: {  	[tilespmem:s30], [sflag:$0x2] =	stream.linear.gather [hbm4b:s18+s3], $0x1400, $0x38;
	[tilespmem:$0x1F080] =	vst v63  }
0xaf: {  	s18 =	smov.u32 s16  }
0xb0: {  	p1 =	sne.s32 s16, $0x24900;
	s16 =	sadd.s32 $0xF00, s16;
	_ =	swait.ge [sflag:s7], $0x1400  }
0xb1: {  	[sflag:s7] =	ssyncset.done $0x0  }
0xb2: {  	[sflag:s7] =	ssyncadd.s32 $0xFFFFEC00  }
0xb3: {  	_ =	swait.ge [sflag:s7], $0x1400  }
0xb4: {  	[sflag:s7] =	ssyncset.done $0x0  }
0xb5: {  	s19 =	sadd.s32 $0xFFFFFF00, s17;
	[sflag:s7] =	ssyncadd.s32 $0xFFFFEC00  }
0xb6: {  	[spmem:s2] =	stream.indirect.scatter.add.f32 [tilespmem:s1], [sflag:$0x4], $0x80, s19, s9, $0xb8;
	[tilespmem:$0x1F080] =	vst v63  }
0xb7: {  	_ =	swait.ge [sflag:s14], $0x2800  }
0xb8: {  	s18 =	sadd.s32 s18, s22;
	[sflag:s14] =	ssyncset.done $0x0  }
0xb9: {  	s19 =	sadd.s32 $0x1900, s18;
	[sflag:s14] =	ssyncadd.s32 $0xFFFFD800  }
0xba: {  	[tilespmem:s31], [sflag:$0x3] =	stream.linear.gather [hbm4b:s19+s3], $0x1400, $0x38;
	[tilespmem:$0x1F080] =	vst v63  }
0xbb: {  	s19 =	sadd.s32 $0x1B80, s18  }
0xbc: {  	[tilespmem:s0], [sflag:$0x3] =	stream.linear.gather [hbm4b:s19+s3], $0x1400, $0x38;
	[tilespmem:$0x1F080] =	vst v63  }
0xbd: {  	_ =	swait.ge [sflag:s10], $0x1400  }
0xbe: {  	[sflag:s10] =	ssyncset.done $0x0  }
0xbf: {  	[sflag:s10] =	ssyncadd.s32 $0xFFFFEC00  }
0xc0: {  	_ =	swait.ge [sflag:s10], $0x1400  }
0xc1: {  	[sflag:s10] =	ssyncset.done $0x0  }
0xc2: {  	s19 =	sadd.s32 $0xFFFFFF80, s17;
	[sflag:s10] =	ssyncadd.s32 $0xFFFFEC00  }
0xc3: {  	[spmem:s2] =	stream.indirect.scatter.add.f32 [tilespmem:s29], [sflag:$0x5], $0x80, s19, s9, $0xb8;
	[tilespmem:$0x1F080] =	vst v63  }
0xc4: {  	_ =	swait.ge [sflag:s11], $0x2800  }
0xc5: {  	[sflag:s11] =	ssyncset.done $0x0  }
0xc6: {  	s19 =	sadd.s32 $0x1E00, s18;
	[sflag:s11] =	ssyncadd.s32 $0xFFFFD800  }
0xc7: {  	[tilespmem:s1], [sflag:$0x1] =	stream.linear.gather [hbm4b:s19+s3], $0x1400, $0x38;
	[tilespmem:$0x1F080] =	vst v63  }
0xc8: {  	s19 =	sadd.s32 $0x2080, s18  }
0xc9: {  	[tilespmem:s5], [sflag:$0x1] =	stream.linear.gather [hbm4b:s19+s3], $0x1400, $0x38;
	[tilespmem:$0x1F080] =	vst v63  }
0xca: {  	_ =	swait.ge [sflag:s12], $0x1400  }
0xcb: {  	[sflag:s12] =	ssyncset.done $0x0  }
0xcc: {  	[sflag:s12] =	ssyncadd.s32 $0xFFFFEC00  }
0xcd: {  	_ =	swait.ge [sflag:s12], $0x1400  }
0xce: {  	[sflag:s12] =	ssyncset.done $0x0  }
0xcf: {  	[sflag:s12] =	ssyncadd.s32 $0xFFFFEC00  }
0xd0: {  	[spmem:s2] =	stream.indirect.scatter.add.f32 [tilespmem:s31], [sflag:$0x6], $0x80, s17, s9, $0xb8;
	[tilespmem:$0x1F080] =	vst v63  }
.Ltmp1:
0xd1: {  	_ =	swait.ge [sflag:s13], $0x2800;
	(pc) =	sbr.rel @p1 .LBB2_4-.Ltmp1, $4  }
0xd2: {  	[sflag:s13] =	ssyncset.done $0x0  }
0xd3: {  	s19 =	sadd.s32 $0x2300, s18;
	[sflag:s13] =	ssyncadd.s32 $0xFFFFD800  }
0xd4: {  	[tilespmem:s29], [sflag:$0x2] =	stream.linear.gather [hbm4b:s19+s3], $0x1400, $0x38;
	[tilespmem:$0x1F080] =	vst v63  }
0xd5: {  	s18 =	sadd.s32 $0x2580, s18;
	s17 =	sadd.s32 $0x180, s17  }
0xd6: {  	[tilespmem:s30], [sflag:$0x2] =	stream.linear.gather [hbm4b:s18+s3], $0x1400, $0x38;
	[tilespmem:$0x1F080] =	vst v63  }
0xd7: {  	_ =	swait.ge [sflag:s7], $0x1400  }
0xd8: {  	[sflag:s7] =	ssyncset.done $0x0  }
0xd9: {  	[sflag:s7] =	ssyncadd.s32 $0xFFFFEC00  }
0xda: {  	_ =	swait.ge [sflag:s7], $0x1400  }
0xdb: {  	[sflag:s7] =	ssyncset.done $0x0  }
0xdc: {  	s16 =	simm.s32 $0x3D80;
	[sflag:s7] =	ssyncadd.s32 $0xFFFFEC00  }
0xdd: {  	[spmem:s2] =	stream.indirect.scatter.add.f32 [tilespmem:s1], [sflag:$0x4], $0x80, s16, s9, $0xb8;
	[tilespmem:$0x1F080] =	vst v63  }
0xde: {  	_ =	swait.ge [sflag:s10], $0x1400  }
0xdf: {  	[sflag:s10] =	ssyncset.done $0x0  }
0xe0: {  	[sflag:s10] =	ssyncadd.s32 $0xFFFFEC00  }
0xe1: {  	_ =	swait.ge [sflag:s10], $0x1400  }
0xe2: {  	[sflag:s10] =	ssyncset.done $0x0  }
0xe3: {  	s17 =	simm.s32 $0x3E00;
	[sflag:s10] =	ssyncadd.s32 $0xFFFFEC00  }
0xe4: {  	[spmem:s2] =	stream.indirect.scatter.add.f32 [tilespmem:s29], [sflag:$0x5], $0x80, s17, s9, $0xb8;
	[tilespmem:$0x1F080] =	vst v63  }
0xe5: {  	_ =	swait.ge [sflag:s14], $0x2800  }
0xe6: {  	[sflag:s14] =	ssyncset.done $0x0  }
0xe7: {  	[sflag:s14] =	ssyncadd.s32 $0xFFFFD800  }
0xe8: {  	_ =	swait.ge [sflag:s11], $0x2800  }
0xe9: {  	[sflag:s11] =	ssyncset.done $0x0  }
0xea: {  	[sflag:s11] =	ssyncadd.s32 $0xFFFFD800  }
0xeb: {  	_ =	swait.ge [sflag:s13], $0x2800  }
0xec: {  	[sflag:s13] =	ssyncset.done $0x0  }
0xed: {  	s18 =	stileid.u32;
	[sflag:s13] =	ssyncadd.s32 $0xFFFFD800  }
0xee: {  	s16 =	sshll.u32 s18, $0x6;
	[bflag:$0x0] =	sbarrier.arrive $0xFFFF  }
0xef: {  	s16 =	sor.u32 $0x1C08, s16;
	s17 =	sshrl.u32 s8, $0x3;
	s19 =	rddreg [dreg:$0x10]  }
0xf0: {  	[hbm:s19], [sflag:s16] =	dma.local [spmem:s17], $0x2700  }
0xf1: {  	_ =	swait.ge [sflag:s4], $0x2700  }
0xf2: {  	s15 =	sadd.s32 $0x1, s15;
	[sflag:s4] =	ssyncset.done $0x0  }
0xf3: {  	p1 =	sne.s32 s15, s25;
	s17 =	sshrl.u32 @!p0 s28, $0x3;
	[sflag:s4] =	ssyncadd.s32 $0xFFFFD900  }
0xf4: {  	[hbm:s24], [sflag:s16] =	dma.local @!p0 [spmem:s17], $0x100  }
.Ltmp2:
0xf5: {  	_ = 	snop;
	(pc) =	sbr.rel @p1 .LBB2_1-.Ltmp2, $4  }
0xf6: {  	s16 =	simm.s32 @!p0 $0x8  }
0xf7: {  	_ =	swait.ge @!p0 [sflag:s16], $0x100  }
0xf8: {  	[sflag:s16] =	ssyncset.done @!p0 $0x0  }
0xf9: {  	[sflag:s16] =	ssyncadd.s32 @!p0 $0xFFFFFF00  }
0xfa: {  	_ =	sfence.sel $0x180000  }
0xfb: {  	[bflag:$0x0] =	sbarrier.arrive $0xFFFF  }
0xfc: {  	_ =	strace $0x90000047  }
0xfd: {  	[bflag:$0x2] =	sbarrier.arrive $0xFFFF  }
0xfe: {  	s0 =	rddreg [dreg:$0x4]  }
0xff: {  	s0 =	sadd.s32 @!p0 $0x100000, s0  }
0x100: {  	[sflag:s0] =	ssyncadd.tile.s32 @!p0 $0x1;
	_ =	shalt  }
.Lfunc_end2:
_tile_overlayer_lowered:
.L_overlay_start_2:
0x101: {  	(tag) =	ssettag $0x2  }
0x102: {  	s0 =	rddreg [dreg:$0x0];
	s2 =	stileid.u32  }
0x103: {  	s1 =	rddreg [dreg:$0x1];
	p0 =	sne.s32 s2, $0x0  }
0x104: {  	s3 =	rddreg [dreg:$0x2];
	[bflag:$0x3] =	sbarrier.arrive $0xFFFF;
	s2 =	simm.s32 @!p0 $0x1C08  }
0x105: {  	[timem:s3], [sflag:s2] =	dma.local @!p0 [hbm:s0], s1  }
0x106: {  	s0 =	simm.s32 @!p0 $0x8  }
0x107: {  	_ =	swait.ge @!p0 [sflag:s0], s1  }
0x108: {  	s1 =	ssub.s32 @!p0 $0x0, s1;
	[sflag:s0] =	ssyncset.done @!p0 $0x0  }
0x109: {  	[sflag:s0] =	ssyncadd.s32 @!p0 s1  }
0x10a: {  	[bflag:$0x3] =	sbarrier.arrive $0xFFFF  }
0x10b: {  	_ =	shalt  }

</sc_bundles>
